<compile_context>
chip_gen: v7x
topology: tpu7x:2x2x1
jax: 0.10.2.dev20260603
libtpu: 0.0.44.dev20260713+nightly
codegen_flags: <defaults>
</compile_context>

<pallas_src>
import jax
import jax.numpy as jnp
from jax import lax
from jax.experimental import pallas as pl
from jax.experimental.pallas import tpu as pltpu
from jax.experimental.pallas import tpu_sc as plsc

VOCAB = 100000
MAXLEN = 200
EMBED = 128
BATCH = 1024

NC = 2
NS = 16
NW = NC * NS

ROWS = BATCH * MAXLEN
CHUNK = 128
NCHUNK = ROWS // CHUNK
CPW = NCHUNK // NW
NLANE = 16
EV = EMBED // NLANE
NBUF = 4
LOOPHI = ((CPW + NBUF - 1) // NBUF) * NBUF
POSX = MAXLEN + CHUNK - 8


def _body(x_hbm, tok_hbm, pos_hbm, out_hbm, pos_v, idx_all, *rest):
  buf = rest[0:NBUF]
  gsem = rest[NBUF:2 * NBUF]
  ssem = rest[2 * NBUF:3 * NBUF]
  psem = rest[3 * NBUF]

  wid = lax.axis_index("s") * NC + lax.axis_index("c")
  wchunk0 = wid * CPW

  pcp0 = pltpu.async_copy(pos_hbm, pos_v.at[pl.ds(0, MAXLEN)], psem)
  pcp1 = pltpu.async_copy(pos_hbm.at[pl.ds(0, POSX - MAXLEN)],
                          pos_v.at[pl.ds(MAXLEN, POSX - MAXLEN)], psem)
  pltpu.sync_copy(x_hbm.at[pl.ds(wchunk0 * CHUNK, CPW * CHUNK)], idx_all)

  H = CHUNK // 2

  def start_gather(c, b):
    pltpu.async_copy(tok_hbm.at[idx_all.at[pl.ds(c * CHUNK, H)]],
                     buf[b].at[pl.ds(0, H)], gsem[b])
    pltpu.async_copy(tok_hbm.at[idx_all.at[pl.ds(c * CHUNK + H, H)]],
                     buf[b].at[pl.ds(H, H)], gsem[b])

  for b in range(2):
    start_gather(jnp.int32(b), b)
  pcp0.wait()
  pcp1.wait()

  @pl.loop(jnp.int32(0), jnp.int32(LOOPHI), step=jnp.int32(NBUF))
  def _(g):
    for b in range(NBUF):
      c = g + b
      rowbase = (wchunk0 + c) * CHUNK

      @pl.when(c < CPW)
      def _():
        pltpu.make_async_copy(
            tok_hbm.at[idx_all.at[pl.ds(c * CHUNK, H)]],
            buf[b].at[pl.ds(0, H)], gsem[b]).wait()
        pltpu.make_async_copy(
            tok_hbm.at[idx_all.at[pl.ds(c * CHUNK + H, H)]],
            buf[b].at[pl.ds(H, H)], gsem[b]).wait()

        b2 = (b + 2) % NBUF
        @pl.when(c >= 2)
        def _():
          pltpu.make_async_copy(
              buf[b2], out_hbm.at[pl.ds(rowbase - 2 * CHUNK, CHUNK)],
              ssem[b2]).wait()
        @pl.when(c + 2 < CPW)
        def _():
          start_gather(c + 2, b2)

        l0 = lax.rem(rowbase, jnp.int32(MAXLEN))
        @plsc.parallel_loop(jnp.int32(0), jnp.int32(CHUNK), unroll=2)
        def _(i):
          l = l0 + i
          for j in range(EV):
            sl = pl.ds(j * NLANE, NLANE)
            plsc.addupdate(buf[b].at[i, sl], pos_v[l, sl])

        pltpu.async_copy(buf[b], out_hbm.at[pl.ds(rowbase, CHUNK)], ssem[b])

  for k in range(2):
    c = CPW - 2 + k
    rowbase = (wchunk0 + c) * CHUNK
    pltpu.make_async_copy(
        buf[c % NBUF], out_hbm.at[pl.ds(rowbase, CHUNK)],
        ssem[c % NBUF]).wait()


@jax.jit
def kernel(x, token_table, pos_table):
  x_flat = x.reshape(-1).astype(jnp.int32)
  mesh = plsc.VectorSubcoreMesh(
      core_axis_name="c", subcore_axis_name="s",
      num_cores=NC, num_subcores=NS)
  scratch = [
      pltpu.VMEM((POSX, EMBED), jnp.float32),
      pltpu.VMEM((CPW * CHUNK,), jnp.int32),
  ]
  scratch += [pltpu.VMEM((CHUNK, EMBED), jnp.float32)] * NBUF
  scratch += [pltpu.SemaphoreType.DMA] * (2 * NBUF)
  scratch += [pltpu.SemaphoreType.DMA]
  f = pl.kernel(
      _body,
      out_type=jax.ShapeDtypeStruct((ROWS, EMBED), jnp.float32),
      mesh=mesh,
      scratch_types=scratch,
  )
  out = f(x_flat, token_table, pos_table)
  return out.reshape(BATCH, MAXLEN, EMBED)

# --- scband reference (transcript-rebuilt; emitter-appended) ---
"""Pipeline reference for scband-token-and-position-embedding-57088705298553 (READ-ONLY COPY).

The authoritative reference and input builder live on the scoring server;
editing this copy changes nothing except your own understanding.
"""

import jax, jax.numpy as jnp
import numpy as np

VOCAB = 100000
MAXLEN = 200
EMBED = 128
BATCH = 1024

def setup_inputs(seed: int = 0) -> dict:
    key = jax.random.key(seed)
    k1, k2, k3 = jax.random.split(key, 3)
    x = jax.random.randint(k1, (BATCH, MAXLEN), 0, VOCAB, dtype=jnp.int64 if jax.config.jax_enable_x64 else jnp.int32)
    token_table = jax.random.normal(k2, (VOCAB, EMBED), dtype=jnp.float32) * 0.05
    pos_table = jax.random.normal(k3, (MAXLEN, EMBED), dtype=jnp.float32) * 0.05
    return {"x": x, "token_table": token_table, "pos_table": pos_table}

def reference(x, token_table, pos_table):
    # TokenAndPositionEmbedding.call:
    #   positions = pos_emb(range(maxlen)); x = token_emb(x); return x + positions
    L = x.shape[-1]
    positions = jnp.arange(0, L)
    pos = jnp.take(pos_table, positions, axis=0)          # [L, E]
    tok = jnp.take(token_table, x, axis=0)                # [B, L, E]
    return tok + pos[None, :, :]

if __name__ == "__main__":
    import jax
    _d = setup_inputs()
    print(jax.jit(kernel)(*tuple(_d.values())))

</pallas_src>

<mosaic_0001>
#map = affine_map<(d0, d1) -> (0)>
#map1 = affine_map<(d0, d1) -> (0, 0)>
module attributes {stable_mosaic.version = 14 : i64} {
  func.func @_body(%arg0: i32, %arg1: i32, %arg2: memref<204800xi32, #tpu.memory_space<hbm>>, %arg3: memref<100000x128xf32, #tpu.memory_space<hbm>>, %arg4: memref<200x128xf32, #tpu.memory_space<hbm>>, %arg5: memref<204800x128xf32, #tpu.memory_space<hbm>>, %arg6: memref<320x128xf32, #tpu.memory_space<vmem>>, %arg7: memref<6400xi32, #tpu.memory_space<vmem>>, %arg8: memref<128x128xf32, #tpu.memory_space<vmem>>, %arg9: memref<128x128xf32, #tpu.memory_space<vmem>>, %arg10: memref<128x128xf32, #tpu.memory_space<vmem>>, %arg11: memref<128x128xf32, #tpu.memory_space<vmem>>, %arg12: memref<!tpu.dma_semaphore, #tpu.memory_space<semaphore_mem>>, %arg13: memref<!tpu.dma_semaphore, #tpu.memory_space<semaphore_mem>>, %arg14: memref<!tpu.dma_semaphore, #tpu.memory_space<semaphore_mem>>, %arg15: memref<!tpu.dma_semaphore, #tpu.memory_space<semaphore_mem>>, %arg16: memref<!tpu.dma_semaphore, #tpu.memory_space<semaphore_mem>>, %arg17: memref<!tpu.dma_semaphore, #tpu.memory_space<semaphore_mem>>, %arg18: memref<!tpu.dma_semaphore, #tpu.memory_space<semaphore_mem>>, %arg19: memref<!tpu.dma_semaphore, #tpu.memory_space<semaphore_mem>>, %arg20: memref<!tpu.dma_semaphore, #tpu.memory_space<semaphore_mem>>) attributes {dimension_semantics = [#tpu.dimension_semantics<core_parallel>, #tpu.dimension_semantics<subcore_parallel>], iteration_bounds = array<i64: 2, 16>, scalar_prefetch = 0 : i64, scratch_operands = 15 : i64, tpu.core_type = #tpu.core_type<sc_vector_subcore>, window_params = [{transform_indices = #map}, {transform_indices = #map1}, {transform_indices = #map1}, {transform_indices = #map1}]} {
    %mul3A = arith.constant 2 : i32
    %mul3A_0 = arith.muli %arg1, %mul3A : i32
    %add3A = arith.addi %mul3A_0, %arg0 : i32
    %mul3A_1 = arith.constant 50 : i32
    %mul3A_2 = arith.muli %add3A, %mul3A_1 : i32
    %dma_start3A = arith.constant 0 : i32
    %dma_start3A_3 = arith.constant 0 : i32
    %dma_start3A_4 = tpu.memref_slice %arg6[%dma_start3A, %dma_start3A_3] : memref<320x128xf32, #tpu.memory_space<vmem>> -> memref<200x128xf32, #tpu.memory_space<vmem>>
    %dma_start3A_5 = arith.constant 0 : i32
    %dma_start3A_6 = arith.constant 0 : i32
    %dma_start3A_7 = tpu.memref_slice %arg6[%dma_start3A_5, %dma_start3A_6] : memref<320x128xf32, #tpu.memory_space<vmem>> -> memref<200x128xf32, #tpu.memory_space<vmem>>
    tpu.enqueue_dma source(%arg4 : memref<200x128xf32, #tpu.memory_space<hbm>>) target(%dma_start3A_7 : memref<200x128xf32, #tpu.memory_space<vmem>>) target_semaphore(%arg20 : memref<!tpu.dma_semaphore, #tpu.memory_space<semaphore_mem>>)
    %dma_start3A_8 = arith.constant 200 : i32
    %dma_start3A_9 = arith.constant 0 : i32
    %dma_start3A_10 = tpu.memref_slice %arg6[%dma_start3A_8, %dma_start3A_9] : memref<320x128xf32, #tpu.memory_space<vmem>> -> memref<120x128xf32, #tpu.memory_space<vmem>>
    %dma_start3A_11 = arith.constant 0 : i32
    %dma_start3A_12 = arith.constant 0 : i32
    %dma_start3A_13 = tpu.memref_slice %arg4[%dma_start3A_11, %dma_start3A_12] : memref<200x128xf32, #tpu.memory_space<hbm>> -> memref<120x128xf32, #tpu.memory_space<hbm>>
    %dma_start3A_14 = arith.constant 200 : i32
    %dma_start3A_15 = arith.constant 0 : i32
    %dma_start3A_16 = tpu.memref_slice %arg6[%dma_start3A_14, %dma_start3A_15] : memref<320x128xf32, #tpu.memory_space<vmem>> -> memref<120x128xf32, #tpu.memory_space<vmem>>
    %dma_start3A_17 = arith.constant 0 : i32
    %dma_start3A_18 = arith.constant 0 : i32
    %dma_start3A_19 = tpu.memref_slice %arg4[%dma_start3A_17, %dma_start3A_18] : memref<200x128xf32, #tpu.memory_space<hbm>> -> memref<120x128xf32, #tpu.memory_space<hbm>>
    tpu.enqueue_dma source(%dma_start3A_19 : memref<120x128xf32, #tpu.memory_space<hbm>>) target(%dma_start3A_16 : memref<120x128xf32, #tpu.memory_space<vmem>>) target_semaphore(%arg20 : memref<!tpu.dma_semaphore, #tpu.memory_space<semaphore_mem>>)
    %mul3A_20 = arith.constant 128 : i32
    %mul3A_21 = arith.muli %mul3A_2, %mul3A_20 : i32
    "tpu.region"() ({
      %run_scoped3A = tpu.sem_alloc : memref<!tpu.dma_semaphore, #tpu.memory_space<semaphore_mem>>
      %dma_start3A_116 = tpu.memref_slice %arg2[%mul3A_21] : memref<204800xi32, #tpu.memory_space<hbm>> -> memref<6400xi32, #tpu.memory_space<hbm>>
      %dma_start3A_117 = tpu.memref_slice %arg2[%mul3A_21] : memref<204800xi32, #tpu.memory_space<hbm>> -> memref<6400xi32, #tpu.memory_space<hbm>>
      tpu.enqueue_dma source(%dma_start3A_117 : memref<6400xi32, #tpu.memory_space<hbm>>) target(%arg7 : memref<6400xi32, #tpu.memory_space<vmem>>) target_semaphore(%run_scoped3A : memref<!tpu.dma_semaphore, #tpu.memory_space<semaphore_mem>>)
      %dma_wait3A_118 = tpu.memref_slice %arg2[%mul3A_21] : memref<204800xi32, #tpu.memory_space<hbm>> -> memref<6400xi32, #tpu.memory_space<hbm>>
      %dma_wait3A_119 = tpu.memref_slice %arg2[%mul3A_21] : memref<204800xi32, #tpu.memory_space<hbm>> -> memref<6400xi32, #tpu.memory_space<hbm>>
      tpu.wait_dma2 semaphore(%run_scoped3A : memref<!tpu.dma_semaphore, #tpu.memory_space<semaphore_mem>>) src(%dma_wait3A_119 : memref<6400xi32, #tpu.memory_space<hbm>>) dst(%arg7 : memref<6400xi32, #tpu.memory_space<vmem>>)
      tpu.yield
    }) : () -> ()
    %mul3A_22 = arith.constant 0 : i32
    %mul3A_23 = arith.constant 128 : i32
    %mul3A_24 = arith.muli %mul3A_22, %mul3A_23 : i32
    %dma_start3A_25 = arith.constant 0 : i32
    %dma_start3A_26 = arith.constant 0 : i32
    %dma_start3A_27 = tpu.memref_slice %arg8[%dma_start3A_25, %dma_start3A_26] : memref<128x128xf32, #tpu.memory_space<vmem>> -> memref<64x128xf32, #tpu.memory_space<vmem>>
    %dma_start3A_28 = tpu.memref_slice %arg7[%mul3A_24] : memref<6400xi32, #tpu.memory_space<vmem>> -> memref<64xi32, #tpu.memory_space<vmem>>
    %dma_start3A_29 = arith.constant 0 : i32
    %dma_start3A_30 = arith.constant 0 : i32
    %dma_start3A_31 = tpu.memref_slice %arg3[%dma_start3A_29, %dma_start3A_30] : memref<100000x128xf32, #tpu.memory_space<hbm>> -> memref<100000x128xf32, #tpu.memory_space<hbm>>
    tpu.enqueue_indirect_dma source(%dma_start3A_31 : memref<100000x128xf32, #tpu.memory_space<hbm>>) target(%dma_start3A_27 : memref<64x128xf32, #tpu.memory_space<vmem>>) offsets(%dma_start3A_28 : memref<64xi32, #tpu.memory_space<vmem>>) semaphore(%arg12 : memref<!tpu.dma_semaphore, #tpu.memory_space<semaphore_mem>>)
    %mul3A_32 = arith.constant 0 : i32
    %mul3A_33 = arith.constant 128 : i32
    %mul3A_34 = arith.muli %mul3A_32, %mul3A_33 : i32
    %add3A_35 = arith.constant 64 : i32
    %add3A_36 = arith.addi %mul3A_34, %add3A_35 : i32
    %dma_start3A_37 = arith.constant 64 : i32
    %dma_start3A_38 = arith.constant 0 : i32
    %dma_start3A_39 = tpu.memref_slice %arg8[%dma_start3A_37, %dma_start3A_38] : memref<128x128xf32, #tpu.memory_space<vmem>> -> memref<64x128xf32, #tpu.memory_space<vmem>>
    %dma_start3A_40 = tpu.memref_slice %arg7[%add3A_36] : memref<6400xi32, #tpu.memory_space<vmem>> -> memref<64xi32, #tpu.memory_space<vmem>>
    %dma_start3A_41 = arith.constant 0 : i32
    %dma_start3A_42 = arith.constant 0 : i32
    %dma_start3A_43 = tpu.memref_slice %arg3[%dma_start3A_41, %dma_start3A_42] : memref<100000x128xf32, #tpu.memory_space<hbm>> -> memref<100000x128xf32, #tpu.memory_space<hbm>>
    tpu.enqueue_indirect_dma source(%dma_start3A_43 : memref<100000x128xf32, #tpu.memory_space<hbm>>) target(%dma_start3A_39 : memref<64x128xf32, #tpu.memory_space<vmem>>) offsets(%dma_start3A_40 : memref<64xi32, #tpu.memory_space<vmem>>) semaphore(%arg12 : memref<!tpu.dma_semaphore, #tpu.memory_space<semaphore_mem>>)
    %mul3A_44 = arith.constant 1 : i32
    %mul3A_45 = arith.constant 128 : i32
    %mul3A_46 = arith.muli %mul3A_44, %mul3A_45 : i32
    %dma_start3A_47 = arith.constant 0 : i32
    %dma_start3A_48 = arith.constant 0 : i32
    %dma_start3A_49 = tpu.memref_slice %arg9[%dma_start3A_47, %dma_start3A_48] : memref<128x128xf32, #tpu.memory_space<vmem>> -> memref<64x128xf32, #tpu.memory_space<vmem>>
    %dma_start3A_50 = tpu.memref_slice %arg7[%mul3A_46] : memref<6400xi32, #tpu.memory_space<vmem>> -> memref<64xi32, #tpu.memory_space<vmem>>
    %dma_start3A_51 = arith.constant 0 : i32
    %dma_start3A_52 = arith.constant 0 : i32
    %dma_start3A_53 = tpu.memref_slice %arg3[%dma_start3A_51, %dma_start3A_52] : memref<100000x128xf32, #tpu.memory_space<hbm>> -> memref<100000x128xf32, #tpu.memory_space<hbm>>
    tpu.enqueue_indirect_dma source(%dma_start3A_53 : memref<100000x128xf32, #tpu.memory_space<hbm>>) target(%dma_start3A_49 : memref<64x128xf32, #tpu.memory_space<vmem>>) offsets(%dma_start3A_50 : memref<64xi32, #tpu.memory_space<vmem>>) semaphore(%arg13 : memref<!tpu.dma_semaphore, #tpu.memory_space<semaphore_mem>>)
    %mul3A_54 = arith.constant 1 : i32
    %mul3A_55 = arith.constant 128 : i32
    %mul3A_56 = arith.muli %mul3A_54, %mul3A_55 : i32
    %add3A_57 = arith.constant 64 : i32
    %add3A_58 = arith.addi %mul3A_56, %add3A_57 : i32
    %dma_start3A_59 = arith.constant 64 : i32
    %dma_start3A_60 = arith.constant 0 : i32
    %dma_start3A_61 = tpu.memref_slice %arg9[%dma_start3A_59, %dma_start3A_60] : memref<128x128xf32, #tpu.memory_space<vmem>> -> memref<64x128xf32, #tpu.memory_space<vmem>>
    %dma_start3A_62 = tpu.memref_slice %arg7[%add3A_58] : memref<6400xi32, #tpu.memory_space<vmem>> -> memref<64xi32, #tpu.memory_space<vmem>>
    %dma_start3A_63 = arith.constant 0 : i32
    %dma_start3A_64 = arith.constant 0 : i32
    %dma_start3A_65 = tpu.memref_slice %arg3[%dma_start3A_63, %dma_start3A_64] : memref<100000x128xf32, #tpu.memory_space<hbm>> -> memref<100000x128xf32, #tpu.memory_space<hbm>>
    tpu.enqueue_indirect_dma source(%dma_start3A_65 : memref<100000x128xf32, #tpu.memory_space<hbm>>) target(%dma_start3A_61 : memref<64x128xf32, #tpu.memory_space<vmem>>) offsets(%dma_start3A_62 : memref<64xi32, #tpu.memory_space<vmem>>) semaphore(%arg13 : memref<!tpu.dma_semaphore, #tpu.memory_space<semaphore_mem>>)
    %dma_wait3A = arith.constant 0 : i32
    %dma_wait3A_66 = arith.constant 0 : i32
    %dma_wait3A_67 = tpu.memref_slice %arg6[%dma_wait3A, %dma_wait3A_66] : memref<320x128xf32, #tpu.memory_space<vmem>> -> memref<200x128xf32, #tpu.memory_space<vmem>>
    %dma_wait3A_68 = arith.constant 0 : i32
    %dma_wait3A_69 = arith.constant 0 : i32
    %dma_wait3A_70 = tpu.memref_slice %arg6[%dma_wait3A_68, %dma_wait3A_69] : memref<320x128xf32, #tpu.memory_space<vmem>> -> memref<200x128xf32, #tpu.memory_space<vmem>>
    tpu.wait_dma2 semaphore(%arg20 : memref<!tpu.dma_semaphore, #tpu.memory_space<semaphore_mem>>) src(%arg4 : memref<200x128xf32, #tpu.memory_space<hbm>>) dst(%dma_wait3A_70 : memref<200x128xf32, #tpu.memory_space<vmem>>)
    %dma_wait3A_71 = arith.constant 200 : i32
    %dma_wait3A_72 = arith.constant 0 : i32
    %dma_wait3A_73 = tpu.memref_slice %arg6[%dma_wait3A_71, %dma_wait3A_72] : memref<320x128xf32, #tpu.memory_space<vmem>> -> memref<120x128xf32, #tpu.memory_space<vmem>>
    %dma_wait3A_74 = arith.constant 0 : i32
    %dma_wait3A_75 = arith.constant 0 : i32
    %dma_wait3A_76 = tpu.memref_slice %arg4[%dma_wait3A_74, %dma_wait3A_75] : memref<200x128xf32, #tpu.memory_space<hbm>> -> memref<120x128xf32, #tpu.memory_space<hbm>>
    %dma_wait3A_77 = arith.constant 200 : i32
    %dma_wait3A_78 = arith.constant 0 : i32
    %dma_wait3A_79 = tpu.memref_slice %arg6[%dma_wait3A_77, %dma_wait3A_78] : memref<320x128xf32, #tpu.memory_space<vmem>> -> memref<120x128xf32, #tpu.memory_space<vmem>>
    %dma_wait3A_80 = arith.constant 0 : i32
    %dma_wait3A_81 = arith.constant 0 : i32
    %dma_wait3A_82 = tpu.memref_slice %arg4[%dma_wait3A_80, %dma_wait3A_81] : memref<200x128xf32, #tpu.memory_space<hbm>> -> memref<120x128xf32, #tpu.memory_space<hbm>>
    tpu.wait_dma2 semaphore(%arg20 : memref<!tpu.dma_semaphore, #tpu.memory_space<semaphore_mem>>) src(%dma_wait3A_82 : memref<120x128xf32, #tpu.memory_space<hbm>>) dst(%dma_wait3A_79 : memref<120x128xf32, #tpu.memory_space<vmem>>)
    %sub3A = arith.constant 52 : i32
    %sub3A_83 = arith.constant 0 : i32
    %sub3A_84 = arith.subi %sub3A, %sub3A_83 : i32
    %sub3A_85 = arith.constant 4 : i32
    %sub3A_86 = arith.constant 1 : i32
    %sub3A_87 = arith.subi %sub3A_85, %sub3A_86 : i32
    %add3A_88 = arith.addi %sub3A_84, %sub3A_87 : i32
    %div3A = arith.constant 4 : i32
    %div3A_89 = arith.divsi %add3A_88, %div3A : i32
    %while3A = arith.constant 4 : i32
    %while3A_90 = arith.constant 0 : i32
    %while3A_91 = arith.constant 0 : i32
    %while3A_92 = arith.subi %div3A_89, %while3A_91 : i32
    %while3A_93 = arith.addi %while3A_91, %while3A_92 : i32
    %while3A_94 = arith.constant 1 : i32
    %while3A_95 = arith.divsi %while3A_92, %while3A_94 : i32
    %while3A_96 = arith.muli %while3A_95, %while3A_94 : i32
    %while3A_97 = arith.addi %while3A_91, %while3A_96 : i32
    %while3A_98 = arith.constant 1 : i32
    scf.for %while3A_116 = %while3A_91 to %while3A_97 step %while3A_98  : i32 {
      %mul3A_117 = arith.muli %while3A_116, %while3A : i32
      %add3A_118 = arith.addi %while3A_90, %mul3A_117 : i32
      %add3A_119 = arith.constant 0 : i32
      %add3A_120 = arith.addi %add3A_118, %add3A_119 : i32
      %add3A_121 = arith.addi %mul3A_2, %add3A_120 : i32
      %mul3A_122 = arith.constant 128 : i32
      %mul3A_123 = arith.muli %add3A_121, %mul3A_122 : i32
      %lt3A = arith.constant 50 : i32
      %lt3A_124 = arith.cmpi slt, %add3A_120, %lt3A : i32
      %convert_element_type3A = arith.extui %lt3A_124 : i1 to i32
      %cond3A = arith.constant 0 : i32
      %cond3A_125 = arith.cmpi ne, %convert_element_type3A, %cond3A : i32
      scf.if %cond3A_125 {
        %mul3A_156 = arith.constant 128 : i32
        %mul3A_157 = arith.muli %add3A_120, %mul3A_156 : i32
        %dma_wait3A_158 = arith.constant 0 : i32
        %dma_wait3A_159 = arith.constant 0 : i32
        %dma_wait3A_160 = tpu.memref_slice %arg8[%dma_wait3A_158, %dma_wait3A_159] : memref<128x128xf32, #tpu.memory_space<vmem>> -> memref<64x128xf32, #tpu.memory_space<vmem>>
        %dma_wait3A_161 = tpu.memref_slice %arg7[%mul3A_157] : memref<6400xi32, #tpu.memory_space<vmem>> -> memref<64xi32, #tpu.memory_space<vmem>>
        %dma_wait3A_162 = arith.constant 0 : i32
        %dma_wait3A_163 = arith.constant 0 : i32
        %dma_wait3A_164 = tpu.memref_slice %arg3[%dma_wait3A_162, %dma_wait3A_163] : memref<100000x128xf32, #tpu.memory_space<hbm>> -> memref<100000x128xf32, #tpu.memory_space<hbm>>
        tpu.wait_indirect_dma semaphore(%arg12 : memref<!tpu.dma_semaphore, #tpu.memory_space<semaphore_mem>>) src(%dma_wait3A_164 : memref<100000x128xf32, #tpu.memory_space<hbm>>) dst(%dma_wait3A_160 : memref<64x128xf32, #tpu.memory_space<vmem>>)
        %mul3A_165 = arith.constant 128 : i32
        %mul3A_166 = arith.muli %add3A_120, %mul3A_165 : i32
        %add3A_167 = arith.constant 64 : i32
        %add3A_168 = arith.addi %mul3A_166, %add3A_167 : i32
        %dma_wait3A_169 = arith.constant 64 : i32
        %dma_wait3A_170 = arith.constant 0 : i32
        %dma_wait3A_171 = tpu.memref_slice %arg8[%dma_wait3A_169, %dma_wait3A_170] : memref<128x128xf32, #tpu.memory_space<vmem>> -> memref<64x128xf32, #tpu.memory_space<vmem>>
        %dma_wait3A_172 = tpu.memref_slice %arg7[%add3A_168] : memref<6400xi32, #tpu.memory_space<vmem>> -> memref<64xi32, #tpu.memory_space<vmem>>
        %dma_wait3A_173 = arith.constant 0 : i32
        %dma_wait3A_174 = arith.constant 0 : i32
        %dma_wait3A_175 = tpu.memref_slice %arg3[%dma_wait3A_173, %dma_wait3A_174] : memref<100000x128xf32, #tpu.memory_space<hbm>> -> memref<100000x128xf32, #tpu.memory_space<hbm>>
        tpu.wait_indirect_dma semaphore(%arg12 : memref<!tpu.dma_semaphore, #tpu.memory_space<semaphore_mem>>) src(%dma_wait3A_175 : memref<100000x128xf32, #tpu.memory_space<hbm>>) dst(%dma_wait3A_171 : memref<64x128xf32, #tpu.memory_space<vmem>>)
        %ge3A = arith.constant 2 : i32
        %ge3A_176 = arith.cmpi sge, %add3A_120, %ge3A : i32
        %convert_element_type3A_177 = arith.extui %ge3A_176 : i1 to i32
        %cond3A_178 = arith.constant 0 : i32
        %cond3A_179 = arith.cmpi ne, %convert_element_type3A_177, %cond3A_178 : i32
        scf.if %cond3A_179 {
          %sub3A_194 = arith.constant 256 : i32
          %sub3A_195 = arith.subi %mul3A_123, %sub3A_194 : i32
          %dma_wait3A_196 = arith.constant 0 : i32
          %dma_wait3A_197 = tpu.memref_slice %arg5[%sub3A_195, %dma_wait3A_196] : memref<204800x128xf32, #tpu.memory_space<hbm>> -> memref<128x128xf32, #tpu.memory_space<hbm>>
          %dma_wait3A_198 = arith.constant 0 : i32
          %dma_wait3A_199 = tpu.memref_slice %arg5[%sub3A_195, %dma_wait3A_198] : memref<204800x128xf32, #tpu.memory_space<hbm>> -> memref<128x128xf32, #tpu.memory_space<hbm>>
          tpu.wait_dma2 semaphore(%arg18 : memref<!tpu.dma_semaphore, #tpu.memory_space<semaphore_mem>>) src(%arg10 : memref<128x128xf32, #tpu.memory_space<vmem>>) dst(%dma_wait3A_199 : memref<128x128xf32, #tpu.memory_space<hbm>>)
        } else {
        }
        %add3A_180 = arith.constant 2 : i32
        %add3A_181 = arith.addi %add3A_120, %add3A_180 : i32
        %lt3A_182 = arith.constant 50 : i32
        %lt3A_183 = arith.cmpi slt, %add3A_181, %lt3A_182 : i32
        %convert_element_type3A_184 = arith.extui %lt3A_183 : i1 to i32
        %cond3A_185 = arith.constant 0 : i32
        %cond3A_186 = arith.cmpi ne, %convert_element_type3A_184, %cond3A_185 : i32
        scf.if %cond3A_186 {
          %add3A_194 = arith.constant 2 : i32
          %add3A_195 = arith.addi %add3A_120, %add3A_194 : i32
          %mul3A_196 = arith.constant 128 : i32
          %mul3A_197 = arith.muli %add3A_195, %mul3A_196 : i32
          %dma_start3A_198 = arith.constant 0 : i32
          %dma_start3A_199 = arith.constant 0 : i32
          %dma_start3A_200 = tpu.memref_slice %arg10[%dma_start3A_198, %dma_start3A_199] : memref<128x128xf32, #tpu.memory_space<vmem>> -> memref<64x128xf32, #tpu.memory_space<vmem>>
          %dma_start3A_201 = tpu.memref_slice %arg7[%mul3A_197] : memref<6400xi32, #tpu.memory_space<vmem>> -> memref<64xi32, #tpu.memory_space<vmem>>
          %dma_start3A_202 = arith.constant 0 : i32
          %dma_start3A_203 = arith.constant 0 : i32
          %dma_start3A_204 = tpu.memref_slice %arg3[%dma_start3A_202, %dma_start3A_203] : memref<100000x128xf32, #tpu.memory_space<hbm>> -> memref<100000x128xf32, #tpu.memory_space<hbm>>
          tpu.enqueue_indirect_dma source(%dma_start3A_204 : memref<100000x128xf32, #tpu.memory_space<hbm>>) target(%dma_start3A_200 : memref<64x128xf32, #tpu.memory_space<vmem>>) offsets(%dma_start3A_201 : memref<64xi32, #tpu.memory_space<vmem>>) semaphore(%arg14 : memref<!tpu.dma_semaphore, #tpu.memory_space<semaphore_mem>>)
          %mul3A_205 = arith.constant 128 : i32
          %mul3A_206 = arith.muli %add3A_195, %mul3A_205 : i32
          %add3A_207 = arith.constant 64 : i32
          %add3A_208 = arith.addi %mul3A_206, %add3A_207 : i32
          %dma_start3A_209 = arith.constant 64 : i32
          %dma_start3A_210 = arith.constant 0 : i32
          %dma_start3A_211 = tpu.memref_slice %arg10[%dma_start3A_209, %dma_start3A_210] : memref<128x128xf32, #tpu.memory_space<vmem>> -> memref<64x128xf32, #tpu.memory_space<vmem>>
          %dma_start3A_212 = tpu.memref_slice %arg7[%add3A_208] : memref<6400xi32, #tpu.memory_space<vmem>> -> memref<64xi32, #tpu.memory_space<vmem>>
          %dma_start3A_213 = arith.constant 0 : i32
          %dma_start3A_214 = arith.constant 0 : i32
          %dma_start3A_215 = tpu.memref_slice %arg3[%dma_start3A_213, %dma_start3A_214] : memref<100000x128xf32, #tpu.memory_space<hbm>> -> memref<100000x128xf32, #tpu.memory_space<hbm>>
          tpu.enqueue_indirect_dma source(%dma_start3A_215 : memref<100000x128xf32, #tpu.memory_space<hbm>>) target(%dma_start3A_211 : memref<64x128xf32, #tpu.memory_space<vmem>>) offsets(%dma_start3A_212 : memref<64xi32, #tpu.memory_space<vmem>>) semaphore(%arg14 : memref<!tpu.dma_semaphore, #tpu.memory_space<semaphore_mem>>)
        } else {
        }
        %rem3A = arith.constant 200 : i32
        %rem3A_187 = arith.remsi %mul3A_123, %rem3A : i32
        %parallel_loop3A = arith.constant 0 : i32
        %parallel_loop3A_188 = arith.constant 128 : i32
        %parallel_loop3A_189 = arith.constant 1 : i32
        scf.for %parallel_loop3A_194 = %parallel_loop3A to %parallel_loop3A_188 step %parallel_loop3A_189  : i32 {
          %parallel_loop3A_195 = arith.addi %rem3A_187, %parallel_loop3A_194 : i32
          %parallel_loop3A_196 = arith.index_cast %parallel_loop3A_195 : i32 to index
          %parallel_loop3A_197 = arith.constant 0 : index
          %parallel_loop3A_198 = tpu.vector_load %arg6[%parallel_loop3A_196, %parallel_loop3A_197] {strides = array<i32>} : memref<320x128xf32, #tpu.memory_space<vmem>>, vector<1x16xf32>,
          %parallel_loop3A_199 = vector.shape_cast %parallel_loop3A_198 : vector<1x16xf32> to vector<16xf32>
          %parallel_loop3A_200 = arith.index_cast %parallel_loop3A_194 : i32 to index
          %parallel_loop3A_201 = arith.constant 0 : index
          %parallel_loop3A_202 = tpu.vector_load %arg8[%parallel_loop3A_200, %parallel_loop3A_201] {strides = array<i32>} : memref<128x128xf32, #tpu.memory_space<vmem>>, vector<1x16xf32>,
          %parallel_loop3A_203 = vector.shape_cast %parallel_loop3A_202 : vector<1x16xf32> to vector<16xf32>
          %parallel_loop3A_204 = vector.shape_cast %parallel_loop3A_199 : vector<16xf32> to vector<1x16xf32>
          tpu.vector_store %arg8[%parallel_loop3A_200, %parallel_loop3A_201], %parallel_loop3A_204 {add = true, strides = array<i32>} : memref<128x128xf32, #tpu.memory_space<vmem>>, vector<1x16xf32>,
          %parallel_loop3A_205 = arith.index_cast %parallel_loop3A_195 : i32 to index
          %parallel_loop3A_206 = arith.constant 16 : index
          %parallel_loop3A_207 = tpu.vector_load %arg6[%parallel_loop3A_205, %parallel_loop3A_206] {strides = array<i32>} : memref<320x128xf32, #tpu.memory_space<vmem>>, vector<1x16xf32>,
          %parallel_loop3A_208 = vector.shape_cast %parallel_loop3A_207 : vector<1x16xf32> to vector<16xf32>
          %parallel_loop3A_209 = arith.index_cast %parallel_loop3A_194 : i32 to index
          %parallel_loop3A_210 = arith.constant 16 : index
          %parallel_loop3A_211 = tpu.vector_load %arg8[%parallel_loop3A_209, %parallel_loop3A_210] {strides = array<i32>} : memref<128x128xf32, #tpu.memory_space<vmem>>, vector<1x16xf32>,
          %parallel_loop3A_212 = vector.shape_cast %parallel_loop3A_211 : vector<1x16xf32> to vector<16xf32>
          %parallel_loop3A_213 = vector.shape_cast %parallel_loop3A_208 : vector<16xf32> to vector<1x16xf32>
          tpu.vector_store %arg8[%parallel_loop3A_209, %parallel_loop3A_210], %parallel_loop3A_213 {add = true, strides = array<i32>} : memref<128x128xf32, #tpu.memory_space<vmem>>, vector<1x16xf32>,
          %parallel_loop3A_214 = arith.index_cast %parallel_loop3A_195 : i32 to index
          %parallel_loop3A_215 = arith.constant 32 : index
          %parallel_loop3A_216 = tpu.vector_load %arg6[%parallel_loop3A_214, %parallel_loop3A_215] {strides = array<i32>} : memref<320x128xf32, #tpu.memory_space<vmem>>, vector<1x16xf32>,
          %parallel_loop3A_217 = vector.shape_cast %parallel_loop3A_216 : vector<1x16xf32> to vector<16xf32>
          %parallel_loop3A_218 = arith.index_cast %parallel_loop3A_194 : i32 to index
          %parallel_loop3A_219 = arith.constant 32 : index
          %parallel_loop3A_220 = tpu.vector_load %arg8[%parallel_loop3A_218, %parallel_loop3A_219] {strides = array<i32>} : memref<128x128xf32, #tpu.memory_space<vmem>>, vector<1x16xf32>,
          %parallel_loop3A_221 = vector.shape_cast %parallel_loop3A_220 : vector<1x16xf32> to vector<16xf32>
          %parallel_loop3A_222 = vector.shape_cast %parallel_loop3A_217 : vector<16xf32> to vector<1x16xf32>
          tpu.vector_store %arg8[%parallel_loop3A_218, %parallel_loop3A_219], %parallel_loop3A_222 {add = true, strides = array<i32>} : memref<128x128xf32, #tpu.memory_space<vmem>>, vector<1x16xf32>,
          %parallel_loop3A_223 = arith.index_cast %parallel_loop3A_195 : i32 to index
          %parallel_loop3A_224 = arith.constant 48 : index
          %parallel_loop3A_225 = tpu.vector_load %arg6[%parallel_loop3A_223, %parallel_loop3A_224] {strides = array<i32>} : memref<320x128xf32, #tpu.memory_space<vmem>>, vector<1x16xf32>,
          %parallel_loop3A_226 = vector.shape_cast %parallel_loop3A_225 : vector<1x16xf32> to vector<16xf32>
          %parallel_loop3A_227 = arith.index_cast %parallel_loop3A_194 : i32 to index
          %parallel_loop3A_228 = arith.constant 48 : index
          %parallel_loop3A_229 = tpu.vector_load %arg8[%parallel_loop3A_227, %parallel_loop3A_228] {strides = array<i32>} : memref<128x128xf32, #tpu.memory_space<vmem>>, vector<1x16xf32>,
          %parallel_loop3A_230 = vector.shape_cast %parallel_loop3A_229 : vector<1x16xf32> to vector<16xf32>
          %parallel_loop3A_231 = vector.shape_cast %parallel_loop3A_226 : vector<16xf32> to vector<1x16xf32>
          tpu.vector_store %arg8[%parallel_loop3A_227, %parallel_loop3A_228], %parallel_loop3A_231 {add = true, strides = array<i32>} : memref<128x128xf32, #tpu.memory_space<vmem>>, vector<1x16xf32>,
          %parallel_loop3A_232 = arith.index_cast %parallel_loop3A_195 : i32 to index
          %parallel_loop3A_233 = arith.constant 64 : index
          %parallel_loop3A_234 = tpu.vector_load %arg6[%parallel_loop3A_232, %parallel_loop3A_233] {strides = array<i32>} : memref<320x128xf32, #tpu.memory_space<vmem>>, vector<1x16xf32>,
          %parallel_loop3A_235 = vector.shape_cast %parallel_loop3A_234 : vector<1x16xf32> to vector<16xf32>
          %parallel_loop3A_236 = arith.index_cast %parallel_loop3A_194 : i32 to index
          %parallel_loop3A_237 = arith.constant 64 : index
          %parallel_loop3A_238 = tpu.vector_load %arg8[%parallel_loop3A_236, %parallel_loop3A_237] {strides = array<i32>} : memref<128x128xf32, #tpu.memory_space<vmem>>, vector<1x16xf32>,
          %parallel_loop3A_239 = vector.shape_cast %parallel_loop3A_238 : vector<1x16xf32> to vector<16xf32>
          %parallel_loop3A_240 = vector.shape_cast %parallel_loop3A_235 : vector<16xf32> to vector<1x16xf32>
          tpu.vector_store %arg8[%parallel_loop3A_236, %parallel_loop3A_237], %parallel_loop3A_240 {add = true, strides = array<i32>} : memref<128x128xf32, #tpu.memory_space<vmem>>, vector<1x16xf32>,
          %parallel_loop3A_241 = arith.index_cast %parallel_loop3A_195 : i32 to index
          %parallel_loop3A_242 = arith.constant 80 : index
          %parallel_loop3A_243 = tpu.vector_load %arg6[%parallel_loop3A_241, %parallel_loop3A_242] {strides = array<i32>} : memref<320x128xf32, #tpu.memory_space<vmem>>, vector<1x16xf32>,
          %parallel_loop3A_244 = vector.shape_cast %parallel_loop3A_243 : vector<1x16xf32> to vector<16xf32>
          %parallel_loop3A_245 = arith.index_cast %parallel_loop3A_194 : i32 to index
          %parallel_loop3A_246 = arith.constant 80 : index
          %parallel_loop3A_247 = tpu.vector_load %arg8[%parallel_loop3A_245, %parallel_loop3A_246] {strides = array<i32>} : memref<128x128xf32, #tpu.memory_space<vmem>>, vector<1x16xf32>,
          %parallel_loop3A_248 = vector.shape_cast %parallel_loop3A_247 : vector<1x16xf32> to vector<16xf32>
          %parallel_loop3A_249 = vector.shape_cast %parallel_loop3A_244 : vector<16xf32> to vector<1x16xf32>
          tpu.vector_store %arg8[%parallel_loop3A_245, %parallel_loop3A_246], %parallel_loop3A_249 {add = true, strides = array<i32>} : memref<128x128xf32, #tpu.memory_space<vmem>>, vector<1x16xf32>,
          %parallel_loop3A_250 = arith.index_cast %parallel_loop3A_195 : i32 to index
          %parallel_loop3A_251 = arith.constant 96 : index
          %parallel_loop3A_252 = tpu.vector_load %arg6[%parallel_loop3A_250, %parallel_loop3A_251] {strides = array<i32>} : memref<320x128xf32, #tpu.memory_space<vmem>>, vector<1x16xf32>,
          %parallel_loop3A_253 = vector.shape_cast %parallel_loop3A_252 : vector<1x16xf32> to vector<16xf32>
          %parallel_loop3A_254 = arith.index_cast %parallel_loop3A_194 : i32 to index
          %parallel_loop3A_255 = arith.constant 96 : index
          %parallel_loop3A_256 = tpu.vector_load %arg8[%parallel_loop3A_254, %parallel_loop3A_255] {strides = array<i32>} : memref<128x128xf32, #tpu.memory_space<vmem>>, vector<1x16xf32>,
          %parallel_loop3A_257 = vector.shape_cast %parallel_loop3A_256 : vector<1x16xf32> to vector<16xf32>
          %parallel_loop3A_258 = vector.shape_cast %parallel_loop3A_253 : vector<16xf32> to vector<1x16xf32>
          tpu.vector_store %arg8[%parallel_loop3A_254, %parallel_loop3A_255], %parallel_loop3A_258 {add = true, strides = array<i32>} : memref<128x128xf32, #tpu.memory_space<vmem>>, vector<1x16xf32>,
          %parallel_loop3A_259 = arith.index_cast %parallel_loop3A_195 : i32 to index
          %parallel_loop3A_260 = arith.constant 112 : index
          %parallel_loop3A_261 = tpu.vector_load %arg6[%parallel_loop3A_259, %parallel_loop3A_260] {strides = array<i32>} : memref<320x128xf32, #tpu.memory_space<vmem>>, vector<1x16xf32>,
          %parallel_loop3A_262 = vector.shape_cast %parallel_loop3A_261 : vector<1x16xf32> to vector<16xf32>
          %parallel_loop3A_263 = arith.index_cast %parallel_loop3A_194 : i32 to index
          %parallel_loop3A_264 = arith.constant 112 : index
          %parallel_loop3A_265 = tpu.vector_load %arg8[%parallel_loop3A_263, %parallel_loop3A_264] {strides = array<i32>} : memref<128x128xf32, #tpu.memory_space<vmem>>, vector<1x16xf32>,
          %parallel_loop3A_266 = vector.shape_cast %parallel_loop3A_265 : vector<1x16xf32> to vector<16xf32>
          %parallel_loop3A_267 = vector.shape_cast %parallel_loop3A_262 : vector<16xf32> to vector<1x16xf32>
          tpu.vector_store %arg8[%parallel_loop3A_263, %parallel_loop3A_264], %parallel_loop3A_267 {add = true, strides = array<i32>} : memref<128x128xf32, #tpu.memory_space<vmem>>, vector<1x16xf32>,
        } {sc.loop_unroll_factor = 2 : i64, sc.parallel_access}
        %dma_start3A_190 = arith.constant 0 : i32
        %dma_start3A_191 = tpu.memref_slice %arg5[%mul3A_123, %dma_start3A_190] : memref<204800x128xf32, #tpu.memory_space<hbm>> -> memref<128x128xf32, #tpu.memory_space<hbm>>
        %dma_start3A_192 = arith.constant 0 : i32
        %dma_start3A_193 = tpu.memref_slice %arg5[%mul3A_123, %dma_start3A_192] : memref<204800x128xf32, #tpu.memory_space<hbm>> -> memref<128x128xf32, #tpu.memory_space<hbm>>
        tpu.enqueue_dma source(%arg8 : memref<128x128xf32, #tpu.memory_space<vmem>>) target(%dma_start3A_193 : memref<128x128xf32, #tpu.memory_space<hbm>>) target_semaphore(%arg16 : memref<!tpu.dma_semaphore, #tpu.memory_space<semaphore_mem>>)
      } else {
      }
      %add3A_126 = arith.constant 1 : i32
      %add3A_127 = arith.addi %add3A_118, %add3A_126 : i32
      %add3A_128 = arith.addi %mul3A_2, %add3A_127 : i32
      %mul3A_129 = arith.constant 128 : i32
      %mul3A_130 = arith.muli %add3A_128, %mul3A_129 : i32
      %lt3A_131 = arith.constant 50 : i32
      %lt3A_132 = arith.cmpi slt, %add3A_127, %lt3A_131 : i32
      %convert_element_type3A_133 = arith.extui %lt3A_132 : i1 to i32
      %cond3A_134 = arith.constant 0 : i32
      %cond3A_135 = arith.cmpi ne, %convert_element_type3A_133, %cond3A_134 : i32
      scf.if %cond3A_135 {
        %mul3A_156 = arith.constant 128 : i32
        %mul3A_157 = arith.muli %add3A_127, %mul3A_156 : i32
        %dma_wait3A_158 = arith.constant 0 : i32
        %dma_wait3A_159 = arith.constant 0 : i32
        %dma_wait3A_160 = tpu.memref_slice %arg9[%dma_wait3A_158, %dma_wait3A_159] : memref<128x128xf32, #tpu.memory_space<vmem>> -> memref<64x128xf32, #tpu.memory_space<vmem>>
        %dma_wait3A_161 = tpu.memref_slice %arg7[%mul3A_157] : memref<6400xi32, #tpu.memory_space<vmem>> -> memref<64xi32, #tpu.memory_space<vmem>>
        %dma_wait3A_162 = arith.constant 0 : i32
        %dma_wait3A_163 = arith.constant 0 : i32
        %dma_wait3A_164 = tpu.memref_slice %arg3[%dma_wait3A_162, %dma_wait3A_163] : memref<100000x128xf32, #tpu.memory_space<hbm>> -> memref<100000x128xf32, #tpu.memory_space<hbm>>
        tpu.wait_indirect_dma semaphore(%arg13 : memref<!tpu.dma_semaphore, #tpu.memory_space<semaphore_mem>>) src(%dma_wait3A_164 : memref<100000x128xf32, #tpu.memory_space<hbm>>) dst(%dma_wait3A_160 : memref<64x128xf32, #tpu.memory_space<vmem>>)
        %mul3A_165 = arith.constant 128 : i32
        %mul3A_166 = arith.muli %add3A_127, %mul3A_165 : i32
        %add3A_167 = arith.constant 64 : i32
        %add3A_168 = arith.addi %mul3A_166, %add3A_167 : i32
        %dma_wait3A_169 = arith.constant 64 : i32
        %dma_wait3A_170 = arith.constant 0 : i32
        %dma_wait3A_171 = tpu.memref_slice %arg9[%dma_wait3A_169, %dma_wait3A_170] : memref<128x128xf32, #tpu.memory_space<vmem>> -> memref<64x128xf32, #tpu.memory_space<vmem>>
        %dma_wait3A_172 = tpu.memref_slice %arg7[%add3A_168] : memref<6400xi32, #tpu.memory_space<vmem>> -> memref<64xi32, #tpu.memory_space<vmem>>
        %dma_wait3A_173 = arith.constant 0 : i32
        %dma_wait3A_174 = arith.constant 0 : i32
        %dma_wait3A_175 = tpu.memref_slice %arg3[%dma_wait3A_173, %dma_wait3A_174] : memref<100000x128xf32, #tpu.memory_space<hbm>> -> memref<100000x128xf32, #tpu.memory_space<hbm>>
        tpu.wait_indirect_dma semaphore(%arg13 : memref<!tpu.dma_semaphore, #tpu.memory_space<semaphore_mem>>) src(%dma_wait3A_175 : memref<100000x128xf32, #tpu.memory_space<hbm>>) dst(%dma_wait3A_171 : memref<64x128xf32, #tpu.memory_space<vmem>>)
        %ge3A = arith.constant 2 : i32
        %ge3A_176 = arith.cmpi sge, %add3A_127, %ge3A : i32
        %convert_element_type3A_177 = arith.extui %ge3A_176 : i1 to i32
        %cond3A_178 = arith.constant 0 : i32
        %cond3A_179 = arith.cmpi ne, %convert_element_type3A_177, %cond3A_178 : i32
        scf.if %cond3A_179 {
          %sub3A_194 = arith.constant 256 : i32
          %sub3A_195 = arith.subi %mul3A_130, %sub3A_194 : i32
          %dma_wait3A_196 = arith.constant 0 : i32
          %dma_wait3A_197 = tpu.memref_slice %arg5[%sub3A_195, %dma_wait3A_196] : memref<204800x128xf32, #tpu.memory_space<hbm>> -> memref<128x128xf32, #tpu.memory_space<hbm>>
          %dma_wait3A_198 = arith.constant 0 : i32
          %dma_wait3A_199 = tpu.memref_slice %arg5[%sub3A_195, %dma_wait3A_198] : memref<204800x128xf32, #tpu.memory_space<hbm>> -> memref<128x128xf32, #tpu.memory_space<hbm>>
          tpu.wait_dma2 semaphore(%arg19 : memref<!tpu.dma_semaphore, #tpu.memory_space<semaphore_mem>>) src(%arg11 : memref<128x128xf32, #tpu.memory_space<vmem>>) dst(%dma_wait3A_199 : memref<128x128xf32, #tpu.memory_space<hbm>>)
        } else {
        }
        %add3A_180 = arith.constant 2 : i32
        %add3A_181 = arith.addi %add3A_127, %add3A_180 : i32
        %lt3A_182 = arith.constant 50 : i32
        %lt3A_183 = arith.cmpi slt, %add3A_181, %lt3A_182 : i32
        %convert_element_type3A_184 = arith.extui %lt3A_183 : i1 to i32
        %cond3A_185 = arith.constant 0 : i32
        %cond3A_186 = arith.cmpi ne, %convert_element_type3A_184, %cond3A_185 : i32
        scf.if %cond3A_186 {
          %add3A_194 = arith.constant 2 : i32
          %add3A_195 = arith.addi %add3A_127, %add3A_194 : i32
          %mul3A_196 = arith.constant 128 : i32
          %mul3A_197 = arith.muli %add3A_195, %mul3A_196 : i32
          %dma_start3A_198 = arith.constant 0 : i32
          %dma_start3A_199 = arith.constant 0 : i32
          %dma_start3A_200 = tpu.memref_slice %arg11[%dma_start3A_198, %dma_start3A_199] : memref<128x128xf32, #tpu.memory_space<vmem>> -> memref<64x128xf32, #tpu.memory_space<vmem>>
          %dma_start3A_201 = tpu.memref_slice %arg7[%mul3A_197] : memref<6400xi32, #tpu.memory_space<vmem>> -> memref<64xi32, #tpu.memory_space<vmem>>
          %dma_start3A_202 = arith.constant 0 : i32
          %dma_start3A_203 = arith.constant 0 : i32
          %dma_start3A_204 = tpu.memref_slice %arg3[%dma_start3A_202, %dma_start3A_203] : memref<100000x128xf32, #tpu.memory_space<hbm>> -> memref<100000x128xf32, #tpu.memory_space<hbm>>
          tpu.enqueue_indirect_dma source(%dma_start3A_204 : memref<100000x128xf32, #tpu.memory_space<hbm>>) target(%dma_start3A_200 : memref<64x128xf32, #tpu.memory_space<vmem>>) offsets(%dma_start3A_201 : memref<64xi32, #tpu.memory_space<vmem>>) semaphore(%arg15 : memref<!tpu.dma_semaphore, #tpu.memory_space<semaphore_mem>>)
          %mul3A_205 = arith.constant 128 : i32
          %mul3A_206 = arith.muli %add3A_195, %mul3A_205 : i32
          %add3A_207 = arith.constant 64 : i32
          %add3A_208 = arith.addi %mul3A_206, %add3A_207 : i32
          %dma_start3A_209 = arith.constant 64 : i32
          %dma_start3A_210 = arith.constant 0 : i32
          %dma_start3A_211 = tpu.memref_slice %arg11[%dma_start3A_209, %dma_start3A_210] : memref<128x128xf32, #tpu.memory_space<vmem>> -> memref<64x128xf32, #tpu.memory_space<vmem>>
          %dma_start3A_212 = tpu.memref_slice %arg7[%add3A_208] : memref<6400xi32, #tpu.memory_space<vmem>> -> memref<64xi32, #tpu.memory_space<vmem>>
          %dma_start3A_213 = arith.constant 0 : i32
          %dma_start3A_214 = arith.constant 0 : i32
          %dma_start3A_215 = tpu.memref_slice %arg3[%dma_start3A_213, %dma_start3A_214] : memref<100000x128xf32, #tpu.memory_space<hbm>> -> memref<100000x128xf32, #tpu.memory_space<hbm>>
          tpu.enqueue_indirect_dma source(%dma_start3A_215 : memref<100000x128xf32, #tpu.memory_space<hbm>>) target(%dma_start3A_211 : memref<64x128xf32, #tpu.memory_space<vmem>>) offsets(%dma_start3A_212 : memref<64xi32, #tpu.memory_space<vmem>>) semaphore(%arg15 : memref<!tpu.dma_semaphore, #tpu.memory_space<semaphore_mem>>)
        } else {
        }
        %rem3A = arith.constant 200 : i32
        %rem3A_187 = arith.remsi %mul3A_130, %rem3A : i32
        %parallel_loop3A = arith.constant 0 : i32
        %parallel_loop3A_188 = arith.constant 128 : i32
        %parallel_loop3A_189 = arith.constant 1 : i32
        scf.for %parallel_loop3A_194 = %parallel_loop3A to %parallel_loop3A_188 step %parallel_loop3A_189  : i32 {
          %parallel_loop3A_195 = arith.addi %rem3A_187, %parallel_loop3A_194 : i32
          %parallel_loop3A_196 = arith.index_cast %parallel_loop3A_195 : i32 to index
          %parallel_loop3A_197 = arith.constant 0 : index
          %parallel_loop3A_198 = tpu.vector_load %arg6[%parallel_loop3A_196, %parallel_loop3A_197] {strides = array<i32>} : memref<320x128xf32, #tpu.memory_space<vmem>>, vector<1x16xf32>,
          %parallel_loop3A_199 = vector.shape_cast %parallel_loop3A_198 : vector<1x16xf32> to vector<16xf32>
          %parallel_loop3A_200 = arith.index_cast %parallel_loop3A_194 : i32 to index
          %parallel_loop3A_201 = arith.constant 0 : index
          %parallel_loop3A_202 = tpu.vector_load %arg9[%parallel_loop3A_200, %parallel_loop3A_201] {strides = array<i32>} : memref<128x128xf32, #tpu.memory_space<vmem>>, vector<1x16xf32>,
          %parallel_loop3A_203 = vector.shape_cast %parallel_loop3A_202 : vector<1x16xf32> to vector<16xf32>
          %parallel_loop3A_204 = vector.shape_cast %parallel_loop3A_199 : vector<16xf32> to vector<1x16xf32>
          tpu.vector_store %arg9[%parallel_loop3A_200, %parallel_loop3A_201], %parallel_loop3A_204 {add = true, strides = array<i32>} : memref<128x128xf32, #tpu.memory_space<vmem>>, vector<1x16xf32>,
          %parallel_loop3A_205 = arith.index_cast %parallel_loop3A_195 : i32 to index
          %parallel_loop3A_206 = arith.constant 16 : index
          %parallel_loop3A_207 = tpu.vector_load %arg6[%parallel_loop3A_205, %parallel_loop3A_206] {strides = array<i32>} : memref<320x128xf32, #tpu.memory_space<vmem>>, vector<1x16xf32>,
          %parallel_loop3A_208 = vector.shape_cast %parallel_loop3A_207 : vector<1x16xf32> to vector<16xf32>
          %parallel_loop3A_209 = arith.index_cast %parallel_loop3A_194 : i32 to index
          %parallel_loop3A_210 = arith.constant 16 : index
          %parallel_loop3A_211 = tpu.vector_load %arg9[%parallel_loop3A_209, %parallel_loop3A_210] {strides = array<i32>} : memref<128x128xf32, #tpu.memory_space<vmem>>, vector<1x16xf32>,
          %parallel_loop3A_212 = vector.shape_cast %parallel_loop3A_211 : vector<1x16xf32> to vector<16xf32>
          %parallel_loop3A_213 = vector.shape_cast %parallel_loop3A_208 : vector<16xf32> to vector<1x16xf32>
          tpu.vector_store %arg9[%parallel_loop3A_209, %parallel_loop3A_210], %parallel_loop3A_213 {add = true, strides = array<i32>} : memref<128x128xf32, #tpu.memory_space<vmem>>, vector<1x16xf32>,
          %parallel_loop3A_214 = arith.index_cast %parallel_loop3A_195 : i32 to index
          %parallel_loop3A_215 = arith.constant 32 : index
          %parallel_loop3A_216 = tpu.vector_load %arg6[%parallel_loop3A_214, %parallel_loop3A_215] {strides = array<i32>} : memref<320x128xf32, #tpu.memory_space<vmem>>, vector<1x16xf32>,
          %parallel_loop3A_217 = vector.shape_cast %parallel_loop3A_216 : vector<1x16xf32> to vector<16xf32>
          %parallel_loop3A_218 = arith.index_cast %parallel_loop3A_194 : i32 to index
          %parallel_loop3A_219 = arith.constant 32 : index
          %parallel_loop3A_220 = tpu.vector_load %arg9[%parallel_loop3A_218, %parallel_loop3A_219] {strides = array<i32>} : memref<128x128xf32, #tpu.memory_space<vmem>>, vector<1x16xf32>,
          %parallel_loop3A_221 = vector.shape_cast %parallel_loop3A_220 : vector<1x16xf32> to vector<16xf32>
          %parallel_loop3A_222 = vector.shape_cast %parallel_loop3A_217 : vector<16xf32> to vector<1x16xf32>
          tpu.vector_store %arg9[%parallel_loop3A_218, %parallel_loop3A_219], %parallel_loop3A_222 {add = true, strides = array<i32>} : memref<128x128xf32, #tpu.memory_space<vmem>>, vector<1x16xf32>,
          %parallel_loop3A_223 = arith.index_cast %parallel_loop3A_195 : i32 to index
          %parallel_loop3A_224 = arith.constant 48 : index
          %parallel_loop3A_225 = tpu.vector_load %arg6[%parallel_loop3A_223, %parallel_loop3A_224] {strides = array<i32>} : memref<320x128xf32, #tpu.memory_space<vmem>>, vector<1x16xf32>,
          %parallel_loop3A_226 = vector.shape_cast %parallel_loop3A_225 : vector<1x16xf32> to vector<16xf32>
          %parallel_loop3A_227 = arith.index_cast %parallel_loop3A_194 : i32 to index
          %parallel_loop3A_228 = arith.constant 48 : index
          %parallel_loop3A_229 = tpu.vector_load %arg9[%parallel_loop3A_227, %parallel_loop3A_228] {strides = array<i32>} : memref<128x128xf32, #tpu.memory_space<vmem>>, vector<1x16xf32>,
          %parallel_loop3A_230 = vector.shape_cast %parallel_loop3A_229 : vector<1x16xf32> to vector<16xf32>
          %parallel_loop3A_231 = vector.shape_cast %parallel_loop3A_226 : vector<16xf32> to vector<1x16xf32>
          tpu.vector_store %arg9[%parallel_loop3A_227, %parallel_loop3A_228], %parallel_loop3A_231 {add = true, strides = array<i32>} : memref<128x128xf32, #tpu.memory_space<vmem>>, vector<1x16xf32>,
          %parallel_loop3A_232 = arith.index_cast %parallel_loop3A_195 : i32 to index
          %parallel_loop3A_233 = arith.constant 64 : index
          %parallel_loop3A_234 = tpu.vector_load %arg6[%parallel_loop3A_232, %parallel_loop3A_233] {strides = array<i32>} : memref<320x128xf32, #tpu.memory_space<vmem>>, vector<1x16xf32>,
          %parallel_loop3A_235 = vector.shape_cast %parallel_loop3A_234 : vector<1x16xf32> to vector<16xf32>
          %parallel_loop3A_236 = arith.index_cast %parallel_loop3A_194 : i32 to index
          %parallel_loop3A_237 = arith.constant 64 : index
          %parallel_loop3A_238 = tpu.vector_load %arg9[%parallel_loop3A_236, %parallel_loop3A_237] {strides = array<i32>} : memref<128x128xf32, #tpu.memory_space<vmem>>, vector<1x16xf32>,
          %parallel_loop3A_239 = vector.shape_cast %parallel_loop3A_238 : vector<1x16xf32> to vector<16xf32>
          %parallel_loop3A_240 = vector.shape_cast %parallel_loop3A_235 : vector<16xf32> to vector<1x16xf32>
          tpu.vector_store %arg9[%parallel_loop3A_236, %parallel_loop3A_237], %parallel_loop3A_240 {add = true, strides = array<i32>} : memref<128x128xf32, #tpu.memory_space<vmem>>, vector<1x16xf32>,
          %parallel_loop3A_241 = arith.index_cast %parallel_loop3A_195 : i32 to index
          %parallel_loop3A_242 = arith.constant 80 : index
          %parallel_loop3A_243 = tpu.vector_load %arg6[%parallel_loop3A_241, %parallel_loop3A_242] {strides = array<i32>} : memref<320x128xf32, #tpu.memory_space<vmem>>, vector<1x16xf32>,
          %parallel_loop3A_244 = vector.shape_cast %parallel_loop3A_243 : vector<1x16xf32> to vector<16xf32>
          %parallel_loop3A_245 = arith.index_cast %parallel_loop3A_194 : i32 to index
          %parallel_loop3A_246 = arith.constant 80 : index
          %parallel_loop3A_247 = tpu.vector_load %arg9[%parallel_loop3A_245, %parallel_loop3A_246] {strides = array<i32>} : memref<128x128xf32, #tpu.memory_space<vmem>>, vector<1x16xf32>,
          %parallel_loop3A_248 = vector.shape_cast %parallel_loop3A_247 : vector<1x16xf32> to vector<16xf32>
          %parallel_loop3A_249 = vector.shape_cast %parallel_loop3A_244 : vector<16xf32> to vector<1x16xf32>
          tpu.vector_store %arg9[%parallel_loop3A_245, %parallel_loop3A_246], %parallel_loop3A_249 {add = true, strides = array<i32>} : memref<128x128xf32, #tpu.memory_space<vmem>>, vector<1x16xf32>,
          %parallel_loop3A_250 = arith.index_cast %parallel_loop3A_195 : i32 to index
          %parallel_loop3A_251 = arith.constant 96 : index
          %parallel_loop3A_252 = tpu.vector_load %arg6[%parallel_loop3A_250, %parallel_loop3A_251] {strides = array<i32>} : memref<320x128xf32, #tpu.memory_space<vmem>>, vector<1x16xf32>,
          %parallel_loop3A_253 = vector.shape_cast %parallel_loop3A_252 : vector<1x16xf32> to vector<16xf32>
          %parallel_loop3A_254 = arith.index_cast %parallel_loop3A_194 : i32 to index
          %parallel_loop3A_255 = arith.constant 96 : index
          %parallel_loop3A_256 = tpu.vector_load %arg9[%parallel_loop3A_254, %parallel_loop3A_255] {strides = array<i32>} : memref<128x128xf32, #tpu.memory_space<vmem>>, vector<1x16xf32>,
          %parallel_loop3A_257 = vector.shape_cast %parallel_loop3A_256 : vector<1x16xf32> to vector<16xf32>
          %parallel_loop3A_258 = vector.shape_cast %parallel_loop3A_253 : vector<16xf32> to vector<1x16xf32>
          tpu.vector_store %arg9[%parallel_loop3A_254, %parallel_loop3A_255], %parallel_loop3A_258 {add = true, strides = array<i32>} : memref<128x128xf32, #tpu.memory_space<vmem>>, vector<1x16xf32>,
          %parallel_loop3A_259 = arith.index_cast %parallel_loop3A_195 : i32 to index
          %parallel_loop3A_260 = arith.constant 112 : index
          %parallel_loop3A_261 = tpu.vector_load %arg6[%parallel_loop3A_259, %parallel_loop3A_260] {strides = array<i32>} : memref<320x128xf32, #tpu.memory_space<vmem>>, vector<1x16xf32>,
          %parallel_loop3A_262 = vector.shape_cast %parallel_loop3A_261 : vector<1x16xf32> to vector<16xf32>
          %parallel_loop3A_263 = arith.index_cast %parallel_loop3A_194 : i32 to index
          %parallel_loop3A_264 = arith.constant 112 : index
          %parallel_loop3A_265 = tpu.vector_load %arg9[%parallel_loop3A_263, %parallel_loop3A_264] {strides = array<i32>} : memref<128x128xf32, #tpu.memory_space<vmem>>, vector<1x16xf32>,
          %parallel_loop3A_266 = vector.shape_cast %parallel_loop3A_265 : vector<1x16xf32> to vector<16xf32>
          %parallel_loop3A_267 = vector.shape_cast %parallel_loop3A_262 : vector<16xf32> to vector<1x16xf32>
          tpu.vector_store %arg9[%parallel_loop3A_263, %parallel_loop3A_264], %parallel_loop3A_267 {add = true, strides = array<i32>} : memref<128x128xf32, #tpu.memory_space<vmem>>, vector<1x16xf32>,
        } {sc.loop_unroll_factor = 2 : i64, sc.parallel_access}
        %dma_start3A_190 = arith.constant 0 : i32
        %dma_start3A_191 = tpu.memref_slice %arg5[%mul3A_130, %dma_start3A_190] : memref<204800x128xf32, #tpu.memory_space<hbm>> -> memref<128x128xf32, #tpu.memory_space<hbm>>
        %dma_start3A_192 = arith.constant 0 : i32
        %dma_start3A_193 = tpu.memref_slice %arg5[%mul3A_130, %dma_start3A_192] : memref<204800x128xf32, #tpu.memory_space<hbm>> -> memref<128x128xf32, #tpu.memory_space<hbm>>
        tpu.enqueue_dma source(%arg9 : memref<128x128xf32, #tpu.memory_space<vmem>>) target(%dma_start3A_193 : memref<128x128xf32, #tpu.memory_space<hbm>>) target_semaphore(%arg17 : memref<!tpu.dma_semaphore, #tpu.memory_space<semaphore_mem>>)
      } else {
      }
      %add3A_136 = arith.constant 2 : i32
      %add3A_137 = arith.addi %add3A_118, %add3A_136 : i32
      %add3A_138 = arith.addi %mul3A_2, %add3A_137 : i32
      %mul3A_139 = arith.constant 128 : i32
      %mul3A_140 = arith.muli %add3A_138, %mul3A_139 : i32
      %lt3A_141 = arith.constant 50 : i32
      %lt3A_142 = arith.cmpi slt, %add3A_137, %lt3A_141 : i32
      %convert_element_type3A_143 = arith.extui %lt3A_142 : i1 to i32
      %cond3A_144 = arith.constant 0 : i32
      %cond3A_145 = arith.cmpi ne, %convert_element_type3A_143, %cond3A_144 : i32
      scf.if %cond3A_145 {
        %mul3A_156 = arith.constant 128 : i32
        %mul3A_157 = arith.muli %add3A_137, %mul3A_156 : i32
        %dma_wait3A_158 = arith.constant 0 : i32
        %dma_wait3A_159 = arith.constant 0 : i32
        %dma_wait3A_160 = tpu.memref_slice %arg10[%dma_wait3A_158, %dma_wait3A_159] : memref<128x128xf32, #tpu.memory_space<vmem>> -> memref<64x128xf32, #tpu.memory_space<vmem>>
        %dma_wait3A_161 = tpu.memref_slice %arg7[%mul3A_157] : memref<6400xi32, #tpu.memory_space<vmem>> -> memref<64xi32, #tpu.memory_space<vmem>>
        %dma_wait3A_162 = arith.constant 0 : i32
        %dma_wait3A_163 = arith.constant 0 : i32
        %dma_wait3A_164 = tpu.memref_slice %arg3[%dma_wait3A_162, %dma_wait3A_163] : memref<100000x128xf32, #tpu.memory_space<hbm>> -> memref<100000x128xf32, #tpu.memory_space<hbm>>
        tpu.wait_indirect_dma semaphore(%arg14 : memref<!tpu.dma_semaphore, #tpu.memory_space<semaphore_mem>>) src(%dma_wait3A_164 : memref<100000x128xf32, #tpu.memory_space<hbm>>) dst(%dma_wait3A_160 : memref<64x128xf32, #tpu.memory_space<vmem>>)
        %mul3A_165 = arith.constant 128 : i32
        %mul3A_166 = arith.muli %add3A_137, %mul3A_165 : i32
        %add3A_167 = arith.constant 64 : i32
        %add3A_168 = arith.addi %mul3A_166, %add3A_167 : i32
        %dma_wait3A_169 = arith.constant 64 : i32
        %dma_wait3A_170 = arith.constant 0 : i32
        %dma_wait3A_171 = tpu.memref_slice %arg10[%dma_wait3A_169, %dma_wait3A_170] : memref<128x128xf32, #tpu.memory_space<vmem>> -> memref<64x128xf32, #tpu.memory_space<vmem>>
        %dma_wait3A_172 = tpu.memref_slice %arg7[%add3A_168] : memref<6400xi32, #tpu.memory_space<vmem>> -> memref<64xi32, #tpu.memory_space<vmem>>
        %dma_wait3A_173 = arith.constant 0 : i32
        %dma_wait3A_174 = arith.constant 0 : i32
        %dma_wait3A_175 = tpu.memref_slice %arg3[%dma_wait3A_173, %dma_wait3A_174] : memref<100000x128xf32, #tpu.memory_space<hbm>> -> memref<100000x128xf32, #tpu.memory_space<hbm>>
        tpu.wait_indirect_dma semaphore(%arg14 : memref<!tpu.dma_semaphore, #tpu.memory_space<semaphore_mem>>) src(%dma_wait3A_175 : memref<100000x128xf32, #tpu.memory_space<hbm>>) dst(%dma_wait3A_171 : memref<64x128xf32, #tpu.memory_space<vmem>>)
        %ge3A = arith.constant 2 : i32
        %ge3A_176 = arith.cmpi sge, %add3A_137, %ge3A : i32
        %convert_element_type3A_177 = arith.extui %ge3A_176 : i1 to i32
        %cond3A_178 = arith.constant 0 : i32
        %cond3A_179 = arith.cmpi ne, %convert_element_type3A_177, %cond3A_178 : i32
        scf.if %cond3A_179 {
          %sub3A_194 = arith.constant 256 : i32
          %sub3A_195 = arith.subi %mul3A_140, %sub3A_194 : i32
          %dma_wait3A_196 = arith.constant 0 : i32
          %dma_wait3A_197 = tpu.memref_slice %arg5[%sub3A_195, %dma_wait3A_196] : memref<204800x128xf32, #tpu.memory_space<hbm>> -> memref<128x128xf32, #tpu.memory_space<hbm>>
          %dma_wait3A_198 = arith.constant 0 : i32
          %dma_wait3A_199 = tpu.memref_slice %arg5[%sub3A_195, %dma_wait3A_198] : memref<204800x128xf32, #tpu.memory_space<hbm>> -> memref<128x128xf32, #tpu.memory_space<hbm>>
          tpu.wait_dma2 semaphore(%arg16 : memref<!tpu.dma_semaphore, #tpu.memory_space<semaphore_mem>>) src(%arg8 : memref<128x128xf32, #tpu.memory_space<vmem>>) dst(%dma_wait3A_199 : memref<128x128xf32, #tpu.memory_space<hbm>>)
        } else {
        }
        %add3A_180 = arith.constant 2 : i32
        %add3A_181 = arith.addi %add3A_137, %add3A_180 : i32
        %lt3A_182 = arith.constant 50 : i32
        %lt3A_183 = arith.cmpi slt, %add3A_181, %lt3A_182 : i32
        %convert_element_type3A_184 = arith.extui %lt3A_183 : i1 to i32
        %cond3A_185 = arith.constant 0 : i32
        %cond3A_186 = arith.cmpi ne, %convert_element_type3A_184, %cond3A_185 : i32
        scf.if %cond3A_186 {
          %add3A_194 = arith.constant 2 : i32
          %add3A_195 = arith.addi %add3A_137, %add3A_194 : i32
          %mul3A_196 = arith.constant 128 : i32
          %mul3A_197 = arith.muli %add3A_195, %mul3A_196 : i32
          %dma_start3A_198 = arith.constant 0 : i32
          %dma_start3A_199 = arith.constant 0 : i32
          %dma_start3A_200 = tpu.memref_slice %arg8[%dma_start3A_198, %dma_start3A_199] : memref<128x128xf32, #tpu.memory_space<vmem>> -> memref<64x128xf32, #tpu.memory_space<vmem>>
          %dma_start3A_201 = tpu.memref_slice %arg7[%mul3A_197] : memref<6400xi32, #tpu.memory_space<vmem>> -> memref<64xi32, #tpu.memory_space<vmem>>
          %dma_start3A_202 = arith.constant 0 : i32
          %dma_start3A_203 = arith.constant 0 : i32
          %dma_start3A_204 = tpu.memref_slice %arg3[%dma_start3A_202, %dma_start3A_203] : memref<100000x128xf32, #tpu.memory_space<hbm>> -> memref<100000x128xf32, #tpu.memory_space<hbm>>
          tpu.enqueue_indirect_dma source(%dma_start3A_204 : memref<100000x128xf32, #tpu.memory_space<hbm>>) target(%dma_start3A_200 : memref<64x128xf32, #tpu.memory_space<vmem>>) offsets(%dma_start3A_201 : memref<64xi32, #tpu.memory_space<vmem>>) semaphore(%arg12 : memref<!tpu.dma_semaphore, #tpu.memory_space<semaphore_mem>>)
          %mul3A_205 = arith.constant 128 : i32
          %mul3A_206 = arith.muli %add3A_195, %mul3A_205 : i32
          %add3A_207 = arith.constant 64 : i32
          %add3A_208 = arith.addi %mul3A_206, %add3A_207 : i32
          %dma_start3A_209 = arith.constant 64 : i32
          %dma_start3A_210 = arith.constant 0 : i32
          %dma_start3A_211 = tpu.memref_slice %arg8[%dma_start3A_209, %dma_start3A_210] : memref<128x128xf32, #tpu.memory_space<vmem>> -> memref<64x128xf32, #tpu.memory_space<vmem>>
          %dma_start3A_212 = tpu.memref_slice %arg7[%add3A_208] : memref<6400xi32, #tpu.memory_space<vmem>> -> memref<64xi32, #tpu.memory_space<vmem>>
          %dma_start3A_213 = arith.constant 0 : i32
          %dma_start3A_214 = arith.constant 0 : i32
          %dma_start3A_215 = tpu.memref_slice %arg3[%dma_start3A_213, %dma_start3A_214] : memref<100000x128xf32, #tpu.memory_space<hbm>> -> memref<100000x128xf32, #tpu.memory_space<hbm>>
          tpu.enqueue_indirect_dma source(%dma_start3A_215 : memref<100000x128xf32, #tpu.memory_space<hbm>>) target(%dma_start3A_211 : memref<64x128xf32, #tpu.memory_space<vmem>>) offsets(%dma_start3A_212 : memref<64xi32, #tpu.memory_space<vmem>>) semaphore(%arg12 : memref<!tpu.dma_semaphore, #tpu.memory_space<semaphore_mem>>)
        } else {
        }
        %rem3A = arith.constant 200 : i32
        %rem3A_187 = arith.remsi %mul3A_140, %rem3A : i32
        %parallel_loop3A = arith.constant 0 : i32
        %parallel_loop3A_188 = arith.constant 128 : i32
        %parallel_loop3A_189 = arith.constant 1 : i32
        scf.for %parallel_loop3A_194 = %parallel_loop3A to %parallel_loop3A_188 step %parallel_loop3A_189  : i32 {
          %parallel_loop3A_195 = arith.addi %rem3A_187, %parallel_loop3A_194 : i32
          %parallel_loop3A_196 = arith.index_cast %parallel_loop3A_195 : i32 to index
          %parallel_loop3A_197 = arith.constant 0 : index
          %parallel_loop3A_198 = tpu.vector_load %arg6[%parallel_loop3A_196, %parallel_loop3A_197] {strides = array<i32>} : memref<320x128xf32, #tpu.memory_space<vmem>>, vector<1x16xf32>,
          %parallel_loop3A_199 = vector.shape_cast %parallel_loop3A_198 : vector<1x16xf32> to vector<16xf32>
          %parallel_loop3A_200 = arith.index_cast %parallel_loop3A_194 : i32 to index
          %parallel_loop3A_201 = arith.constant 0 : index
          %parallel_loop3A_202 = tpu.vector_load %arg10[%parallel_loop3A_200, %parallel_loop3A_201] {strides = array<i32>} : memref<128x128xf32, #tpu.memory_space<vmem>>, vector<1x16xf32>,
          %parallel_loop3A_203 = vector.shape_cast %parallel_loop3A_202 : vector<1x16xf32> to vector<16xf32>
          %parallel_loop3A_204 = vector.shape_cast %parallel_loop3A_199 : vector<16xf32> to vector<1x16xf32>
          tpu.vector_store %arg10[%parallel_loop3A_200, %parallel_loop3A_201], %parallel_loop3A_204 {add = true, strides = array<i32>} : memref<128x128xf32, #tpu.memory_space<vmem>>, vector<1x16xf32>,
          %parallel_loop3A_205 = arith.index_cast %parallel_loop3A_195 : i32 to index
          %parallel_loop3A_206 = arith.constant 16 : index
          %parallel_loop3A_207 = tpu.vector_load %arg6[%parallel_loop3A_205, %parallel_loop3A_206] {strides = array<i32>} : memref<320x128xf32, #tpu.memory_space<vmem>>, vector<1x16xf32>,
          %parallel_loop3A_208 = vector.shape_cast %parallel_loop3A_207 : vector<1x16xf32> to vector<16xf32>
          %parallel_loop3A_209 = arith.index_cast %parallel_loop3A_194 : i32 to index
          %parallel_loop3A_210 = arith.constant 16 : index
          %parallel_loop3A_211 = tpu.vector_load %arg10[%parallel_loop3A_209, %parallel_loop3A_210] {strides = array<i32>} : memref<128x128xf32, #tpu.memory_space<vmem>>, vector<1x16xf32>,
          %parallel_loop3A_212 = vector.shape_cast %parallel_loop3A_211 : vector<1x16xf32> to vector<16xf32>
          %parallel_loop3A_213 = vector.shape_cast %parallel_loop3A_208 : vector<16xf32> to vector<1x16xf32>
          tpu.vector_store %arg10[%parallel_loop3A_209, %parallel_loop3A_210], %parallel_loop3A_213 {add = true, strides = array<i32>} : memref<128x128xf32, #tpu.memory_space<vmem>>, vector<1x16xf32>,
          %parallel_loop3A_214 = arith.index_cast %parallel_loop3A_195 : i32 to index
          %parallel_loop3A_215 = arith.constant 32 : index
          %parallel_loop3A_216 = tpu.vector_load %arg6[%parallel_loop3A_214, %parallel_loop3A_215] {strides = array<i32>} : memref<320x128xf32, #tpu.memory_space<vmem>>, vector<1x16xf32>,
          %parallel_loop3A_217 = vector.shape_cast %parallel_loop3A_216 : vector<1x16xf32> to vector<16xf32>
          %parallel_loop3A_218 = arith.index_cast %parallel_loop3A_194 : i32 to index
          %parallel_loop3A_219 = arith.constant 32 : index
          %parallel_loop3A_220 = tpu.vector_load %arg10[%parallel_loop3A_218, %parallel_loop3A_219] {strides = array<i32>} : memref<128x128xf32, #tpu.memory_space<vmem>>, vector<1x16xf32>,
          %parallel_loop3A_221 = vector.shape_cast %parallel_loop3A_220 : vector<1x16xf32> to vector<16xf32>
          %parallel_loop3A_222 = vector.shape_cast %parallel_loop3A_217 : vector<16xf32> to vector<1x16xf32>
          tpu.vector_store %arg10[%parallel_loop3A_218, %parallel_loop3A_219], %parallel_loop3A_222 {add = true, strides = array<i32>} : memref<128x128xf32, #tpu.memory_space<vmem>>, vector<1x16xf32>,
          %parallel_loop3A_223 = arith.index_cast %parallel_loop3A_195 : i32 to index
          %parallel_loop3A_224 = arith.constant 48 : index
          %parallel_loop3A_225 = tpu.vector_load %arg6[%parallel_loop3A_223, %parallel_loop3A_224] {strides = array<i32>} : memref<320x128xf32, #tpu.memory_space<vmem>>, vector<1x16xf32>,
          %parallel_loop3A_226 = vector.shape_cast %parallel_loop3A_225 : vector<1x16xf32> to vector<16xf32>
          %parallel_loop3A_227 = arith.index_cast %parallel_loop3A_194 : i32 to index
          %parallel_loop3A_228 = arith.constant 48 : index
          %parallel_loop3A_229 = tpu.vector_load %arg10[%parallel_loop3A_227, %parallel_loop3A_228] {strides = array<i32>} : memref<128x128xf32, #tpu.memory_space<vmem>>, vector<1x16xf32>,
          %parallel_loop3A_230 = vector.shape_cast %parallel_loop3A_229 : vector<1x16xf32> to vector<16xf32>
          %parallel_loop3A_231 = vector.shape_cast %parallel_loop3A_226 : vector<16xf32> to vector<1x16xf32>
          tpu.vector_store %arg10[%parallel_loop3A_227, %parallel_loop3A_228], %parallel_loop3A_231 {add = true, strides = array<i32>} : memref<128x128xf32, #tpu.memory_space<vmem>>, vector<1x16xf32>,
          %parallel_loop3A_232 = arith.index_cast %parallel_loop3A_195 : i32 to index
          %parallel_loop3A_233 = arith.constant 64 : index
          %parallel_loop3A_234 = tpu.vector_load %arg6[%parallel_loop3A_232, %parallel_loop3A_233] {strides = array<i32>} : memref<320x128xf32, #tpu.memory_space<vmem>>, vector<1x16xf32>,
          %parallel_loop3A_235 = vector.shape_cast %parallel_loop3A_234 : vector<1x16xf32> to vector<16xf32>
          %parallel_loop3A_236 = arith.index_cast %parallel_loop3A_194 : i32 to index
          %parallel_loop3A_237 = arith.constant 64 : index
          %parallel_loop3A_238 = tpu.vector_load %arg10[%parallel_loop3A_236, %parallel_loop3A_237] {strides = array<i32>} : memref<128x128xf32, #tpu.memory_space<vmem>>, vector<1x16xf32>,
          %parallel_loop3A_239 = vector.shape_cast %parallel_loop3A_238 : vector<1x16xf32> to vector<16xf32>
          %parallel_loop3A_240 = vector.shape_cast %parallel_loop3A_235 : vector<16xf32> to vector<1x16xf32>
          tpu.vector_store %arg10[%parallel_loop3A_236, %parallel_loop3A_237], %parallel_loop3A_240 {add = true, strides = array<i32>} : memref<128x128xf32, #tpu.memory_space<vmem>>, vector<1x16xf32>,
          %parallel_loop3A_241 = arith.index_cast %parallel_loop3A_195 : i32 to index
          %parallel_loop3A_242 = arith.constant 80 : index
          %parallel_loop3A_243 = tpu.vector_load %arg6[%parallel_loop3A_241, %parallel_loop3A_242] {strides = array<i32>} : memref<320x128xf32, #tpu.memory_space<vmem>>, vector<1x16xf32>,
          %parallel_loop3A_244 = vector.shape_cast %parallel_loop3A_243 : vector<1x16xf32> to vector<16xf32>
          %parallel_loop3A_245 = arith.index_cast %parallel_loop3A_194 : i32 to index
          %parallel_loop3A_246 = arith.constant 80 : index
          %parallel_loop3A_247 = tpu.vector_load %arg10[%parallel_loop3A_245, %parallel_loop3A_246] {strides = array<i32>} : memref<128x128xf32, #tpu.memory_space<vmem>>, vector<1x16xf32>,
          %parallel_loop3A_248 = vector.shape_cast %parallel_loop3A_247 : vector<1x16xf32> to vector<16xf32>
          %parallel_loop3A_249 = vector.shape_cast %parallel_loop3A_244 : vector<16xf32> to vector<1x16xf32>
          tpu.vector_store %arg10[%parallel_loop3A_245, %parallel_loop3A_246], %parallel_loop3A_249 {add = true, strides = array<i32>} : memref<128x128xf32, #tpu.memory_space<vmem>>, vector<1x16xf32>,
          %parallel_loop3A_250 = arith.index_cast %parallel_loop3A_195 : i32 to index
          %parallel_loop3A_251 = arith.constant 96 : index
          %parallel_loop3A_252 = tpu.vector_load %arg6[%parallel_loop3A_250, %parallel_loop3A_251] {strides = array<i32>} : memref<320x128xf32, #tpu.memory_space<vmem>>, vector<1x16xf32>,
          %parallel_loop3A_253 = vector.shape_cast %parallel_loop3A_252 : vector<1x16xf32> to vector<16xf32>
          %parallel_loop3A_254 = arith.index_cast %parallel_loop3A_194 : i32 to index
          %parallel_loop3A_255 = arith.constant 96 : index
          %parallel_loop3A_256 = tpu.vector_load %arg10[%parallel_loop3A_254, %parallel_loop3A_255] {strides = array<i32>} : memref<128x128xf32, #tpu.memory_space<vmem>>, vector<1x16xf32>,
          %parallel_loop3A_257 = vector.shape_cast %parallel_loop3A_256 : vector<1x16xf32> to vector<16xf32>
          %parallel_loop3A_258 = vector.shape_cast %parallel_loop3A_253 : vector<16xf32> to vector<1x16xf32>
          tpu.vector_store %arg10[%parallel_loop3A_254, %parallel_loop3A_255], %parallel_loop3A_258 {add = true, strides = array<i32>} : memref<128x128xf32, #tpu.memory_space<vmem>>, vector<1x16xf32>,
          %parallel_loop3A_259 = arith.index_cast %parallel_loop3A_195 : i32 to index
          %parallel_loop3A_260 = arith.constant 112 : index
          %parallel_loop3A_261 = tpu.vector_load %arg6[%parallel_loop3A_259, %parallel_loop3A_260] {strides = array<i32>} : memref<320x128xf32, #tpu.memory_space<vmem>>, vector<1x16xf32>,
          %parallel_loop3A_262 = vector.shape_cast %parallel_loop3A_261 : vector<1x16xf32> to vector<16xf32>
          %parallel_loop3A_263 = arith.index_cast %parallel_loop3A_194 : i32 to index
          %parallel_loop3A_264 = arith.constant 112 : index
          %parallel_loop3A_265 = tpu.vector_load %arg10[%parallel_loop3A_263, %parallel_loop3A_264] {strides = array<i32>} : memref<128x128xf32, #tpu.memory_space<vmem>>, vector<1x16xf32>,
          %parallel_loop3A_266 = vector.shape_cast %parallel_loop3A_265 : vector<1x16xf32> to vector<16xf32>
          %parallel_loop3A_267 = vector.shape_cast %parallel_loop3A_262 : vector<16xf32> to vector<1x16xf32>
          tpu.vector_store %arg10[%parallel_loop3A_263, %parallel_loop3A_264], %parallel_loop3A_267 {add = true, strides = array<i32>} : memref<128x128xf32, #tpu.memory_space<vmem>>, vector<1x16xf32>,
        } {sc.loop_unroll_factor = 2 : i64, sc.parallel_access}
        %dma_start3A_190 = arith.constant 0 : i32
        %dma_start3A_191 = tpu.memref_slice %arg5[%mul3A_140, %dma_start3A_190] : memref<204800x128xf32, #tpu.memory_space<hbm>> -> memref<128x128xf32, #tpu.memory_space<hbm>>
        %dma_start3A_192 = arith.constant 0 : i32
        %dma_start3A_193 = tpu.memref_slice %arg5[%mul3A_140, %dma_start3A_192] : memref<204800x128xf32, #tpu.memory_space<hbm>> -> memref<128x128xf32, #tpu.memory_space<hbm>>
        tpu.enqueue_dma source(%arg10 : memref<128x128xf32, #tpu.memory_space<vmem>>) target(%dma_start3A_193 : memref<128x128xf32, #tpu.memory_space<hbm>>) target_semaphore(%arg18 : memref<!tpu.dma_semaphore, #tpu.memory_space<semaphore_mem>>)
      } else {
      }
      %add3A_146 = arith.constant 3 : i32
      %add3A_147 = arith.addi %add3A_118, %add3A_146 : i32
      %add3A_148 = arith.addi %mul3A_2, %add3A_147 : i32
      %mul3A_149 = arith.constant 128 : i32
      %mul3A_150 = arith.muli %add3A_148, %mul3A_149 : i32
      %lt3A_151 = arith.constant 50 : i32
      %lt3A_152 = arith.cmpi slt, %add3A_147, %lt3A_151 : i32
      %convert_element_type3A_153 = arith.extui %lt3A_152 : i1 to i32
      %cond3A_154 = arith.constant 0 : i32
      %cond3A_155 = arith.cmpi ne, %convert_element_type3A_153, %cond3A_154 : i32
      scf.if %cond3A_155 {
        %mul3A_156 = arith.constant 128 : i32
        %mul3A_157 = arith.muli %add3A_147, %mul3A_156 : i32
        %dma_wait3A_158 = arith.constant 0 : i32
        %dma_wait3A_159 = arith.constant 0 : i32
        %dma_wait3A_160 = tpu.memref_slice %arg11[%dma_wait3A_158, %dma_wait3A_159] : memref<128x128xf32, #tpu.memory_space<vmem>> -> memref<64x128xf32, #tpu.memory_space<vmem>>
        %dma_wait3A_161 = tpu.memref_slice %arg7[%mul3A_157] : memref<6400xi32, #tpu.memory_space<vmem>> -> memref<64xi32, #tpu.memory_space<vmem>>
        %dma_wait3A_162 = arith.constant 0 : i32
        %dma_wait3A_163 = arith.constant 0 : i32
        %dma_wait3A_164 = tpu.memref_slice %arg3[%dma_wait3A_162, %dma_wait3A_163] : memref<100000x128xf32, #tpu.memory_space<hbm>> -> memref<100000x128xf32, #tpu.memory_space<hbm>>
        tpu.wait_indirect_dma semaphore(%arg15 : memref<!tpu.dma_semaphore, #tpu.memory_space<semaphore_mem>>) src(%dma_wait3A_164 : memref<100000x128xf32, #tpu.memory_space<hbm>>) dst(%dma_wait3A_160 : memref<64x128xf32, #tpu.memory_space<vmem>>)
        %mul3A_165 = arith.constant 128 : i32
        %mul3A_166 = arith.muli %add3A_147, %mul3A_165 : i32
        %add3A_167 = arith.constant 64 : i32
        %add3A_168 = arith.addi %mul3A_166, %add3A_167 : i32
        %dma_wait3A_169 = arith.constant 64 : i32
        %dma_wait3A_170 = arith.constant 0 : i32
        %dma_wait3A_171 = tpu.memref_slice %arg11[%dma_wait3A_169, %dma_wait3A_170] : memref<128x128xf32, #tpu.memory_space<vmem>> -> memref<64x128xf32, #tpu.memory_space<vmem>>
        %dma_wait3A_172 = tpu.memref_slice %arg7[%add3A_168] : memref<6400xi32, #tpu.memory_space<vmem>> -> memref<64xi32, #tpu.memory_space<vmem>>
        %dma_wait3A_173 = arith.constant 0 : i32
        %dma_wait3A_174 = arith.constant 0 : i32
        %dma_wait3A_175 = tpu.memref_slice %arg3[%dma_wait3A_173, %dma_wait3A_174] : memref<100000x128xf32, #tpu.memory_space<hbm>> -> memref<100000x128xf32, #tpu.memory_space<hbm>>
        tpu.wait_indirect_dma semaphore(%arg15 : memref<!tpu.dma_semaphore, #tpu.memory_space<semaphore_mem>>) src(%dma_wait3A_175 : memref<100000x128xf32, #tpu.memory_space<hbm>>) dst(%dma_wait3A_171 : memref<64x128xf32, #tpu.memory_space<vmem>>)
        %ge3A = arith.constant 2 : i32
        %ge3A_176 = arith.cmpi sge, %add3A_147, %ge3A : i32
        %convert_element_type3A_177 = arith.extui %ge3A_176 : i1 to i32
        %cond3A_178 = arith.constant 0 : i32
        %cond3A_179 = arith.cmpi ne, %convert_element_type3A_177, %cond3A_178 : i32
        scf.if %cond3A_179 {
          %sub3A_194 = arith.constant 256 : i32
          %sub3A_195 = arith.subi %mul3A_150, %sub3A_194 : i32
          %dma_wait3A_196 = arith.constant 0 : i32
          %dma_wait3A_197 = tpu.memref_slice %arg5[%sub3A_195, %dma_wait3A_196] : memref<204800x128xf32, #tpu.memory_space<hbm>> -> memref<128x128xf32, #tpu.memory_space<hbm>>
          %dma_wait3A_198 = arith.constant 0 : i32
          %dma_wait3A_199 = tpu.memref_slice %arg5[%sub3A_195, %dma_wait3A_198] : memref<204800x128xf32, #tpu.memory_space<hbm>> -> memref<128x128xf32, #tpu.memory_space<hbm>>
          tpu.wait_dma2 semaphore(%arg17 : memref<!tpu.dma_semaphore, #tpu.memory_space<semaphore_mem>>) src(%arg9 : memref<128x128xf32, #tpu.memory_space<vmem>>) dst(%dma_wait3A_199 : memref<128x128xf32, #tpu.memory_space<hbm>>)
        } else {
        }
        %add3A_180 = arith.constant 2 : i32
        %add3A_181 = arith.addi %add3A_147, %add3A_180 : i32
        %lt3A_182 = arith.constant 50 : i32
        %lt3A_183 = arith.cmpi slt, %add3A_181, %lt3A_182 : i32
        %convert_element_type3A_184 = arith.extui %lt3A_183 : i1 to i32
        %cond3A_185 = arith.constant 0 : i32
        %cond3A_186 = arith.cmpi ne, %convert_element_type3A_184, %cond3A_185 : i32
        scf.if %cond3A_186 {
          %add3A_194 = arith.constant 2 : i32
          %add3A_195 = arith.addi %add3A_147, %add3A_194 : i32
          %mul3A_196 = arith.constant 128 : i32
          %mul3A_197 = arith.muli %add3A_195, %mul3A_196 : i32
          %dma_start3A_198 = arith.constant 0 : i32
          %dma_start3A_199 = arith.constant 0 : i32
          %dma_start3A_200 = tpu.memref_slice %arg9[%dma_start3A_198, %dma_start3A_199] : memref<128x128xf32, #tpu.memory_space<vmem>> -> memref<64x128xf32, #tpu.memory_space<vmem>>
          %dma_start3A_201 = tpu.memref_slice %arg7[%mul3A_197] : memref<6400xi32, #tpu.memory_space<vmem>> -> memref<64xi32, #tpu.memory_space<vmem>>
          %dma_start3A_202 = arith.constant 0 : i32
          %dma_start3A_203 = arith.constant 0 : i32
          %dma_start3A_204 = tpu.memref_slice %arg3[%dma_start3A_202, %dma_start3A_203] : memref<100000x128xf32, #tpu.memory_space<hbm>> -> memref<100000x128xf32, #tpu.memory_space<hbm>>
          tpu.enqueue_indirect_dma source(%dma_start3A_204 : memref<100000x128xf32, #tpu.memory_space<hbm>>) target(%dma_start3A_200 : memref<64x128xf32, #tpu.memory_space<vmem>>) offsets(%dma_start3A_201 : memref<64xi32, #tpu.memory_space<vmem>>) semaphore(%arg13 : memref<!tpu.dma_semaphore, #tpu.memory_space<semaphore_mem>>)
          %mul3A_205 = arith.constant 128 : i32
          %mul3A_206 = arith.muli %add3A_195, %mul3A_205 : i32
          %add3A_207 = arith.constant 64 : i32
          %add3A_208 = arith.addi %mul3A_206, %add3A_207 : i32
          %dma_start3A_209 = arith.constant 64 : i32
          %dma_start3A_210 = arith.constant 0 : i32
          %dma_start3A_211 = tpu.memref_slice %arg9[%dma_start3A_209, %dma_start3A_210] : memref<128x128xf32, #tpu.memory_space<vmem>> -> memref<64x128xf32, #tpu.memory_space<vmem>>
          %dma_start3A_212 = tpu.memref_slice %arg7[%add3A_208] : memref<6400xi32, #tpu.memory_space<vmem>> -> memref<64xi32, #tpu.memory_space<vmem>>
          %dma_start3A_213 = arith.constant 0 : i32
          %dma_start3A_214 = arith.constant 0 : i32
          %dma_start3A_215 = tpu.memref_slice %arg3[%dma_start3A_213, %dma_start3A_214] : memref<100000x128xf32, #tpu.memory_space<hbm>> -> memref<100000x128xf32, #tpu.memory_space<hbm>>
          tpu.enqueue_indirect_dma source(%dma_start3A_215 : memref<100000x128xf32, #tpu.memory_space<hbm>>) target(%dma_start3A_211 : memref<64x128xf32, #tpu.memory_space<vmem>>) offsets(%dma_start3A_212 : memref<64xi32, #tpu.memory_space<vmem>>) semaphore(%arg13 : memref<!tpu.dma_semaphore, #tpu.memory_space<semaphore_mem>>)
        } else {
        }
        %rem3A = arith.constant 200 : i32
        %rem3A_187 = arith.remsi %mul3A_150, %rem3A : i32
        %parallel_loop3A = arith.constant 0 : i32
        %parallel_loop3A_188 = arith.constant 128 : i32
        %parallel_loop3A_189 = arith.constant 1 : i32
        scf.for %parallel_loop3A_194 = %parallel_loop3A to %parallel_loop3A_188 step %parallel_loop3A_189  : i32 {
          %parallel_loop3A_195 = arith.addi %rem3A_187, %parallel_loop3A_194 : i32
          %parallel_loop3A_196 = arith.index_cast %parallel_loop3A_195 : i32 to index
          %parallel_loop3A_197 = arith.constant 0 : index
          %parallel_loop3A_198 = tpu.vector_load %arg6[%parallel_loop3A_196, %parallel_loop3A_197] {strides = array<i32>} : memref<320x128xf32, #tpu.memory_space<vmem>>, vector<1x16xf32>,
          %parallel_loop3A_199 = vector.shape_cast %parallel_loop3A_198 : vector<1x16xf32> to vector<16xf32>
          %parallel_loop3A_200 = arith.index_cast %parallel_loop3A_194 : i32 to index
          %parallel_loop3A_201 = arith.constant 0 : index
          %parallel_loop3A_202 = tpu.vector_load %arg11[%parallel_loop3A_200, %parallel_loop3A_201] {strides = array<i32>} : memref<128x128xf32, #tpu.memory_space<vmem>>, vector<1x16xf32>,
          %parallel_loop3A_203 = vector.shape_cast %parallel_loop3A_202 : vector<1x16xf32> to vector<16xf32>
          %parallel_loop3A_204 = vector.shape_cast %parallel_loop3A_199 : vector<16xf32> to vector<1x16xf32>
          tpu.vector_store %arg11[%parallel_loop3A_200, %parallel_loop3A_201], %parallel_loop3A_204 {add = true, strides = array<i32>} : memref<128x128xf32, #tpu.memory_space<vmem>>, vector<1x16xf32>,
          %parallel_loop3A_205 = arith.index_cast %parallel_loop3A_195 : i32 to index
          %parallel_loop3A_206 = arith.constant 16 : index
          %parallel_loop3A_207 = tpu.vector_load %arg6[%parallel_loop3A_205, %parallel_loop3A_206] {strides = array<i32>} : memref<320x128xf32, #tpu.memory_space<vmem>>, vector<1x16xf32>,
          %parallel_loop3A_208 = vector.shape_cast %parallel_loop3A_207 : vector<1x16xf32> to vector<16xf32>
          %parallel_loop3A_209 = arith.index_cast %parallel_loop3A_194 : i32 to index
          %parallel_loop3A_210 = arith.constant 16 : index
          %parallel_loop3A_211 = tpu.vector_load %arg11[%parallel_loop3A_209, %parallel_loop3A_210] {strides = array<i32>} : memref<128x128xf32, #tpu.memory_space<vmem>>, vector<1x16xf32>,
          %parallel_loop3A_212 = vector.shape_cast %parallel_loop3A_211 : vector<1x16xf32> to vector<16xf32>
          %parallel_loop3A_213 = vector.shape_cast %parallel_loop3A_208 : vector<16xf32> to vector<1x16xf32>
          tpu.vector_store %arg11[%parallel_loop3A_209, %parallel_loop3A_210], %parallel_loop3A_213 {add = true, strides = array<i32>} : memref<128x128xf32, #tpu.memory_space<vmem>>, vector<1x16xf32>,
          %parallel_loop3A_214 = arith.index_cast %parallel_loop3A_195 : i32 to index
          %parallel_loop3A_215 = arith.constant 32 : index
          %parallel_loop3A_216 = tpu.vector_load %arg6[%parallel_loop3A_214, %parallel_loop3A_215] {strides = array<i32>} : memref<320x128xf32, #tpu.memory_space<vmem>>, vector<1x16xf32>,
          %parallel_loop3A_217 = vector.shape_cast %parallel_loop3A_216 : vector<1x16xf32> to vector<16xf32>
          %parallel_loop3A_218 = arith.index_cast %parallel_loop3A_194 : i32 to index
          %parallel_loop3A_219 = arith.constant 32 : index
          %parallel_loop3A_220 = tpu.vector_load %arg11[%parallel_loop3A_218, %parallel_loop3A_219] {strides = array<i32>} : memref<128x128xf32, #tpu.memory_space<vmem>>, vector<1x16xf32>,
          %parallel_loop3A_221 = vector.shape_cast %parallel_loop3A_220 : vector<1x16xf32> to vector<16xf32>
          %parallel_loop3A_222 = vector.shape_cast %parallel_loop3A_217 : vector<16xf32> to vector<1x16xf32>
          tpu.vector_store %arg11[%parallel_loop3A_218, %parallel_loop3A_219], %parallel_loop3A_222 {add = true, strides = array<i32>} : memref<128x128xf32, #tpu.memory_space<vmem>>, vector<1x16xf32>,
          %parallel_loop3A_223 = arith.index_cast %parallel_loop3A_195 : i32 to index
          %parallel_loop3A_224 = arith.constant 48 : index
          %parallel_loop3A_225 = tpu.vector_load %arg6[%parallel_loop3A_223, %parallel_loop3A_224] {strides = array<i32>} : memref<320x128xf32, #tpu.memory_space<vmem>>, vector<1x16xf32>,
          %parallel_loop3A_226 = vector.shape_cast %parallel_loop3A_225 : vector<1x16xf32> to vector<16xf32>
          %parallel_loop3A_227 = arith.index_cast %parallel_loop3A_194 : i32 to index
          %parallel_loop3A_228 = arith.constant 48 : index
          %parallel_loop3A_229 = tpu.vector_load %arg11[%parallel_loop3A_227, %parallel_loop3A_228] {strides = array<i32>} : memref<128x128xf32, #tpu.memory_space<vmem>>, vector<1x16xf32>,
          %parallel_loop3A_230 = vector.shape_cast %parallel_loop3A_229 : vector<1x16xf32> to vector<16xf32>
          %parallel_loop3A_231 = vector.shape_cast %parallel_loop3A_226 : vector<16xf32> to vector<1x16xf32>
          tpu.vector_store %arg11[%parallel_loop3A_227, %parallel_loop3A_228], %parallel_loop3A_231 {add = true, strides = array<i32>} : memref<128x128xf32, #tpu.memory_space<vmem>>, vector<1x16xf32>,
          %parallel_loop3A_232 = arith.index_cast %parallel_loop3A_195 : i32 to index
          %parallel_loop3A_233 = arith.constant 64 : index
          %parallel_loop3A_234 = tpu.vector_load %arg6[%parallel_loop3A_232, %parallel_loop3A_233] {strides = array<i32>} : memref<320x128xf32, #tpu.memory_space<vmem>>, vector<1x16xf32>,
          %parallel_loop3A_235 = vector.shape_cast %parallel_loop3A_234 : vector<1x16xf32> to vector<16xf32>
          %parallel_loop3A_236 = arith.index_cast %parallel_loop3A_194 : i32 to index
          %parallel_loop3A_237 = arith.constant 64 : index
          %parallel_loop3A_238 = tpu.vector_load %arg11[%parallel_loop3A_236, %parallel_loop3A_237] {strides = array<i32>} : memref<128x128xf32, #tpu.memory_space<vmem>>, vector<1x16xf32>,
          %parallel_loop3A_239 = vector.shape_cast %parallel_loop3A_238 : vector<1x16xf32> to vector<16xf32>
          %parallel_loop3A_240 = vector.shape_cast %parallel_loop3A_235 : vector<16xf32> to vector<1x16xf32>
          tpu.vector_store %arg11[%parallel_loop3A_236, %parallel_loop3A_237], %parallel_loop3A_240 {add = true, strides = array<i32>} : memref<128x128xf32, #tpu.memory_space<vmem>>, vector<1x16xf32>,
          %parallel_loop3A_241 = arith.index_cast %parallel_loop3A_195 : i32 to index
          %parallel_loop3A_242 = arith.constant 80 : index
          %parallel_loop3A_243 = tpu.vector_load %arg6[%parallel_loop3A_241, %parallel_loop3A_242] {strides = array<i32>} : memref<320x128xf32, #tpu.memory_space<vmem>>, vector<1x16xf32>,
          %parallel_loop3A_244 = vector.shape_cast %parallel_loop3A_243 : vector<1x16xf32> to vector<16xf32>
          %parallel_loop3A_245 = arith.index_cast %parallel_loop3A_194 : i32 to index
          %parallel_loop3A_246 = arith.constant 80 : index
          %parallel_loop3A_247 = tpu.vector_load %arg11[%parallel_loop3A_245, %parallel_loop3A_246] {strides = array<i32>} : memref<128x128xf32, #tpu.memory_space<vmem>>, vector<1x16xf32>,
          %parallel_loop3A_248 = vector.shape_cast %parallel_loop3A_247 : vector<1x16xf32> to vector<16xf32>
          %parallel_loop3A_249 = vector.shape_cast %parallel_loop3A_244 : vector<16xf32> to vector<1x16xf32>
          tpu.vector_store %arg11[%parallel_loop3A_245, %parallel_loop3A_246], %parallel_loop3A_249 {add = true, strides = array<i32>} : memref<128x128xf32, #tpu.memory_space<vmem>>, vector<1x16xf32>,
          %parallel_loop3A_250 = arith.index_cast %parallel_loop3A_195 : i32 to index
          %parallel_loop3A_251 = arith.constant 96 : index
          %parallel_loop3A_252 = tpu.vector_load %arg6[%parallel_loop3A_250, %parallel_loop3A_251] {strides = array<i32>} : memref<320x128xf32, #tpu.memory_space<vmem>>, vector<1x16xf32>,
          %parallel_loop3A_253 = vector.shape_cast %parallel_loop3A_252 : vector<1x16xf32> to vector<16xf32>
          %parallel_loop3A_254 = arith.index_cast %parallel_loop3A_194 : i32 to index
          %parallel_loop3A_255 = arith.constant 96 : index
          %parallel_loop3A_256 = tpu.vector_load %arg11[%parallel_loop3A_254, %parallel_loop3A_255] {strides = array<i32>} : memref<128x128xf32, #tpu.memory_space<vmem>>, vector<1x16xf32>,
          %parallel_loop3A_257 = vector.shape_cast %parallel_loop3A_256 : vector<1x16xf32> to vector<16xf32>
          %parallel_loop3A_258 = vector.shape_cast %parallel_loop3A_253 : vector<16xf32> to vector<1x16xf32>
          tpu.vector_store %arg11[%parallel_loop3A_254, %parallel_loop3A_255], %parallel_loop3A_258 {add = true, strides = array<i32>} : memref<128x128xf32, #tpu.memory_space<vmem>>, vector<1x16xf32>,
          %parallel_loop3A_259 = arith.index_cast %parallel_loop3A_195 : i32 to index
          %parallel_loop3A_260 = arith.constant 112 : index
          %parallel_loop3A_261 = tpu.vector_load %arg6[%parallel_loop3A_259, %parallel_loop3A_260] {strides = array<i32>} : memref<320x128xf32, #tpu.memory_space<vmem>>, vector<1x16xf32>,
          %parallel_loop3A_262 = vector.shape_cast %parallel_loop3A_261 : vector<1x16xf32> to vector<16xf32>
          %parallel_loop3A_263 = arith.index_cast %parallel_loop3A_194 : i32 to index
          %parallel_loop3A_264 = arith.constant 112 : index
          %parallel_loop3A_265 = tpu.vector_load %arg11[%parallel_loop3A_263, %parallel_loop3A_264] {strides = array<i32>} : memref<128x128xf32, #tpu.memory_space<vmem>>, vector<1x16xf32>,
          %parallel_loop3A_266 = vector.shape_cast %parallel_loop3A_265 : vector<1x16xf32> to vector<16xf32>
          %parallel_loop3A_267 = vector.shape_cast %parallel_loop3A_262 : vector<16xf32> to vector<1x16xf32>
          tpu.vector_store %arg11[%parallel_loop3A_263, %parallel_loop3A_264], %parallel_loop3A_267 {add = true, strides = array<i32>} : memref<128x128xf32, #tpu.memory_space<vmem>>, vector<1x16xf32>,
        } {sc.loop_unroll_factor = 2 : i64, sc.parallel_access}
        %dma_start3A_190 = arith.constant 0 : i32
        %dma_start3A_191 = tpu.memref_slice %arg5[%mul3A_150, %dma_start3A_190] : memref<204800x128xf32, #tpu.memory_space<hbm>> -> memref<128x128xf32, #tpu.memory_space<hbm>>
        %dma_start3A_192 = arith.constant 0 : i32
        %dma_start3A_193 = tpu.memref_slice %arg5[%mul3A_150, %dma_start3A_192] : memref<204800x128xf32, #tpu.memory_space<hbm>> -> memref<128x128xf32, #tpu.memory_space<hbm>>
        tpu.enqueue_dma source(%arg11 : memref<128x128xf32, #tpu.memory_space<vmem>>) target(%dma_start3A_193 : memref<128x128xf32, #tpu.memory_space<hbm>>) target_semaphore(%arg19 : memref<!tpu.dma_semaphore, #tpu.memory_space<semaphore_mem>>)
      } else {
      }
    }
    %while3A_99 = arith.constant 1 : i32
    scf.for %while3A_116 = %while3A_97 to %while3A_93 step %while3A_99  : i32 {
      %mul3A_117 = arith.muli %while3A_116, %while3A : i32
      %add3A_118 = arith.addi %while3A_90, %mul3A_117 : i32
      %add3A_119 = arith.constant 0 : i32
      %add3A_120 = arith.addi %add3A_118, %add3A_119 : i32
      %add3A_121 = arith.addi %mul3A_2, %add3A_120 : i32
      %mul3A_122 = arith.constant 128 : i32
      %mul3A_123 = arith.muli %add3A_121, %mul3A_122 : i32
      %lt3A = arith.constant 50 : i32
      %lt3A_124 = arith.cmpi slt, %add3A_120, %lt3A : i32
      %convert_element_type3A = arith.extui %lt3A_124 : i1 to i32
      %cond3A = arith.constant 0 : i32
      %cond3A_125 = arith.cmpi ne, %convert_element_type3A, %cond3A : i32
      scf.if %cond3A_125 {
        %mul3A_156 = arith.constant 128 : i32
        %mul3A_157 = arith.muli %add3A_120, %mul3A_156 : i32
        %dma_wait3A_158 = arith.constant 0 : i32
        %dma_wait3A_159 = arith.constant 0 : i32
        %dma_wait3A_160 = tpu.memref_slice %arg8[%dma_wait3A_158, %dma_wait3A_159] : memref<128x128xf32, #tpu.memory_space<vmem>> -> memref<64x128xf32, #tpu.memory_space<vmem>>
        %dma_wait3A_161 = tpu.memref_slice %arg7[%mul3A_157] : memref<6400xi32, #tpu.memory_space<vmem>> -> memref<64xi32, #tpu.memory_space<vmem>>
        %dma_wait3A_162 = arith.constant 0 : i32
        %dma_wait3A_163 = arith.constant 0 : i32
        %dma_wait3A_164 = tpu.memref_slice %arg3[%dma_wait3A_162, %dma_wait3A_163] : memref<100000x128xf32, #tpu.memory_space<hbm>> -> memref<100000x128xf32, #tpu.memory_space<hbm>>
        tpu.wait_indirect_dma semaphore(%arg12 : memref<!tpu.dma_semaphore, #tpu.memory_space<semaphore_mem>>) src(%dma_wait3A_164 : memref<100000x128xf32, #tpu.memory_space<hbm>>) dst(%dma_wait3A_160 : memref<64x128xf32, #tpu.memory_space<vmem>>)
        %mul3A_165 = arith.constant 128 : i32
        %mul3A_166 = arith.muli %add3A_120, %mul3A_165 : i32
        %add3A_167 = arith.constant 64 : i32
        %add3A_168 = arith.addi %mul3A_166, %add3A_167 : i32
        %dma_wait3A_169 = arith.constant 64 : i32
        %dma_wait3A_170 = arith.constant 0 : i32
        %dma_wait3A_171 = tpu.memref_slice %arg8[%dma_wait3A_169, %dma_wait3A_170] : memref<128x128xf32, #tpu.memory_space<vmem>> -> memref<64x128xf32, #tpu.memory_space<vmem>>
        %dma_wait3A_172 = tpu.memref_slice %arg7[%add3A_168] : memref<6400xi32, #tpu.memory_space<vmem>> -> memref<64xi32, #tpu.memory_space<vmem>>
        %dma_wait3A_173 = arith.constant 0 : i32
        %dma_wait3A_174 = arith.constant 0 : i32
        %dma_wait3A_175 = tpu.memref_slice %arg3[%dma_wait3A_173, %dma_wait3A_174] : memref<100000x128xf32, #tpu.memory_space<hbm>> -> memref<100000x128xf32, #tpu.memory_space<hbm>>
        tpu.wait_indirect_dma semaphore(%arg12 : memref<!tpu.dma_semaphore, #tpu.memory_space<semaphore_mem>>) src(%dma_wait3A_175 : memref<100000x128xf32, #tpu.memory_space<hbm>>) dst(%dma_wait3A_171 : memref<64x128xf32, #tpu.memory_space<vmem>>)
        %ge3A = arith.constant 2 : i32
        %ge3A_176 = arith.cmpi sge, %add3A_120, %ge3A : i32
        %convert_element_type3A_177 = arith.extui %ge3A_176 : i1 to i32
        %cond3A_178 = arith.constant 0 : i32
        %cond3A_179 = arith.cmpi ne, %convert_element_type3A_177, %cond3A_178 : i32
        scf.if %cond3A_179 {
          %sub3A_194 = arith.constant 256 : i32
          %sub3A_195 = arith.subi %mul3A_123, %sub3A_194 : i32
          %dma_wait3A_196 = arith.constant 0 : i32
          %dma_wait3A_197 = tpu.memref_slice %arg5[%sub3A_195, %dma_wait3A_196] : memref<204800x128xf32, #tpu.memory_space<hbm>> -> memref<128x128xf32, #tpu.memory_space<hbm>>
          %dma_wait3A_198 = arith.constant 0 : i32
          %dma_wait3A_199 = tpu.memref_slice %arg5[%sub3A_195, %dma_wait3A_198] : memref<204800x128xf32, #tpu.memory_space<hbm>> -> memref<128x128xf32, #tpu.memory_space<hbm>>
          tpu.wait_dma2 semaphore(%arg18 : memref<!tpu.dma_semaphore, #tpu.memory_space<semaphore_mem>>) src(%arg10 : memref<128x128xf32, #tpu.memory_space<vmem>>) dst(%dma_wait3A_199 : memref<128x128xf32, #tpu.memory_space<hbm>>)
        } else {
        }
        %add3A_180 = arith.constant 2 : i32
        %add3A_181 = arith.addi %add3A_120, %add3A_180 : i32
        %lt3A_182 = arith.constant 50 : i32
        %lt3A_183 = arith.cmpi slt, %add3A_181, %lt3A_182 : i32
        %convert_element_type3A_184 = arith.extui %lt3A_183 : i1 to i32
        %cond3A_185 = arith.constant 0 : i32
        %cond3A_186 = arith.cmpi ne, %convert_element_type3A_184, %cond3A_185 : i32
        scf.if %cond3A_186 {
          %add3A_194 = arith.constant 2 : i32
          %add3A_195 = arith.addi %add3A_120, %add3A_194 : i32
          %mul3A_196 = arith.constant 128 : i32
          %mul3A_197 = arith.muli %add3A_195, %mul3A_196 : i32
          %dma_start3A_198 = arith.constant 0 : i32
          %dma_start3A_199 = arith.constant 0 : i32
          %dma_start3A_200 = tpu.memref_slice %arg10[%dma_start3A_198, %dma_start3A_199] : memref<128x128xf32, #tpu.memory_space<vmem>> -> memref<64x128xf32, #tpu.memory_space<vmem>>
          %dma_start3A_201 = tpu.memref_slice %arg7[%mul3A_197] : memref<6400xi32, #tpu.memory_space<vmem>> -> memref<64xi32, #tpu.memory_space<vmem>>
          %dma_start3A_202 = arith.constant 0 : i32
          %dma_start3A_203 = arith.constant 0 : i32
          %dma_start3A_204 = tpu.memref_slice %arg3[%dma_start3A_202, %dma_start3A_203] : memref<100000x128xf32, #tpu.memory_space<hbm>> -> memref<100000x128xf32, #tpu.memory_space<hbm>>
          tpu.enqueue_indirect_dma source(%dma_start3A_204 : memref<100000x128xf32, #tpu.memory_space<hbm>>) target(%dma_start3A_200 : memref<64x128xf32, #tpu.memory_space<vmem>>) offsets(%dma_start3A_201 : memref<64xi32, #tpu.memory_space<vmem>>) semaphore(%arg14 : memref<!tpu.dma_semaphore, #tpu.memory_space<semaphore_mem>>)
          %mul3A_205 = arith.constant 128 : i32
          %mul3A_206 = arith.muli %add3A_195, %mul3A_205 : i32
          %add3A_207 = arith.constant 64 : i32
          %add3A_208 = arith.addi %mul3A_206, %add3A_207 : i32
          %dma_start3A_209 = arith.constant 64 : i32
          %dma_start3A_210 = arith.constant 0 : i32
          %dma_start3A_211 = tpu.memref_slice %arg10[%dma_start3A_209, %dma_start3A_210] : memref<128x128xf32, #tpu.memory_space<vmem>> -> memref<64x128xf32, #tpu.memory_space<vmem>>
          %dma_start3A_212 = tpu.memref_slice %arg7[%add3A_208] : memref<6400xi32, #tpu.memory_space<vmem>> -> memref<64xi32, #tpu.memory_space<vmem>>
          %dma_start3A_213 = arith.constant 0 : i32
          %dma_start3A_214 = arith.constant 0 : i32
          %dma_start3A_215 = tpu.memref_slice %arg3[%dma_start3A_213, %dma_start3A_214] : memref<100000x128xf32, #tpu.memory_space<hbm>> -> memref<100000x128xf32, #tpu.memory_space<hbm>>
          tpu.enqueue_indirect_dma source(%dma_start3A_215 : memref<100000x128xf32, #tpu.memory_space<hbm>>) target(%dma_start3A_211 : memref<64x128xf32, #tpu.memory_space<vmem>>) offsets(%dma_start3A_212 : memref<64xi32, #tpu.memory_space<vmem>>) semaphore(%arg14 : memref<!tpu.dma_semaphore, #tpu.memory_space<semaphore_mem>>)
        } else {
        }
        %rem3A = arith.constant 200 : i32
        %rem3A_187 = arith.remsi %mul3A_123, %rem3A : i32
        %parallel_loop3A = arith.constant 0 : i32
        %parallel_loop3A_188 = arith.constant 128 : i32
        %parallel_loop3A_189 = arith.constant 1 : i32
        scf.for %parallel_loop3A_194 = %parallel_loop3A to %parallel_loop3A_188 step %parallel_loop3A_189  : i32 {
          %parallel_loop3A_195 = arith.addi %rem3A_187, %parallel_loop3A_194 : i32
          %parallel_loop3A_196 = arith.index_cast %parallel_loop3A_195 : i32 to index
          %parallel_loop3A_197 = arith.constant 0 : index
          %parallel_loop3A_198 = tpu.vector_load %arg6[%parallel_loop3A_196, %parallel_loop3A_197] {strides = array<i32>} : memref<320x128xf32, #tpu.memory_space<vmem>>, vector<1x16xf32>,
          %parallel_loop3A_199 = vector.shape_cast %parallel_loop3A_198 : vector<1x16xf32> to vector<16xf32>
          %parallel_loop3A_200 = arith.index_cast %parallel_loop3A_194 : i32 to index
          %parallel_loop3A_201 = arith.constant 0 : index
          %parallel_loop3A_202 = tpu.vector_load %arg8[%parallel_loop3A_200, %parallel_loop3A_201] {strides = array<i32>} : memref<128x128xf32, #tpu.memory_space<vmem>>, vector<1x16xf32>,
          %parallel_loop3A_203 = vector.shape_cast %parallel_loop3A_202 : vector<1x16xf32> to vector<16xf32>
          %parallel_loop3A_204 = vector.shape_cast %parallel_loop3A_199 : vector<16xf32> to vector<1x16xf32>
          tpu.vector_store %arg8[%parallel_loop3A_200, %parallel_loop3A_201], %parallel_loop3A_204 {add = true, strides = array<i32>} : memref<128x128xf32, #tpu.memory_space<vmem>>, vector<1x16xf32>,
          %parallel_loop3A_205 = arith.index_cast %parallel_loop3A_195 : i32 to index
          %parallel_loop3A_206 = arith.constant 16 : index
          %parallel_loop3A_207 = tpu.vector_load %arg6[%parallel_loop3A_205, %parallel_loop3A_206] {strides = array<i32>} : memref<320x128xf32, #tpu.memory_space<vmem>>, vector<1x16xf32>,
          %parallel_loop3A_208 = vector.shape_cast %parallel_loop3A_207 : vector<1x16xf32> to vector<16xf32>
          %parallel_loop3A_209 = arith.index_cast %parallel_loop3A_194 : i32 to index
          %parallel_loop3A_210 = arith.constant 16 : index
          %parallel_loop3A_211 = tpu.vector_load %arg8[%parallel_loop3A_209, %parallel_loop3A_210] {strides = array<i32>} : memref<128x128xf32, #tpu.memory_space<vmem>>, vector<1x16xf32>,
          %parallel_loop3A_212 = vector.shape_cast %parallel_loop3A_211 : vector<1x16xf32> to vector<16xf32>
          %parallel_loop3A_213 = vector.shape_cast %parallel_loop3A_208 : vector<16xf32> to vector<1x16xf32>
          tpu.vector_store %arg8[%parallel_loop3A_209, %parallel_loop3A_210], %parallel_loop3A_213 {add = true, strides = array<i32>} : memref<128x128xf32, #tpu.memory_space<vmem>>, vector<1x16xf32>,
          %parallel_loop3A_214 = arith.index_cast %parallel_loop3A_195 : i32 to index
          %parallel_loop3A_215 = arith.constant 32 : index
          %parallel_loop3A_216 = tpu.vector_load %arg6[%parallel_loop3A_214, %parallel_loop3A_215] {strides = array<i32>} : memref<320x128xf32, #tpu.memory_space<vmem>>, vector<1x16xf32>,
          %parallel_loop3A_217 = vector.shape_cast %parallel_loop3A_216 : vector<1x16xf32> to vector<16xf32>
          %parallel_loop3A_218 = arith.index_cast %parallel_loop3A_194 : i32 to index
          %parallel_loop3A_219 = arith.constant 32 : index
          %parallel_loop3A_220 = tpu.vector_load %arg8[%parallel_loop3A_218, %parallel_loop3A_219] {strides = array<i32>} : memref<128x128xf32, #tpu.memory_space<vmem>>, vector<1x16xf32>,
          %parallel_loop3A_221 = vector.shape_cast %parallel_loop3A_220 : vector<1x16xf32> to vector<16xf32>
          %parallel_loop3A_222 = vector.shape_cast %parallel_loop3A_217 : vector<16xf32> to vector<1x16xf32>
          tpu.vector_store %arg8[%parallel_loop3A_218, %parallel_loop3A_219], %parallel_loop3A_222 {add = true, strides = array<i32>} : memref<128x128xf32, #tpu.memory_space<vmem>>, vector<1x16xf32>,
          %parallel_loop3A_223 = arith.index_cast %parallel_loop3A_195 : i32 to index
          %parallel_loop3A_224 = arith.constant 48 : index
          %parallel_loop3A_225 = tpu.vector_load %arg6[%parallel_loop3A_223, %parallel_loop3A_224] {strides = array<i32>} : memref<320x128xf32, #tpu.memory_space<vmem>>, vector<1x16xf32>,
          %parallel_loop3A_226 = vector.shape_cast %parallel_loop3A_225 : vector<1x16xf32> to vector<16xf32>
          %parallel_loop3A_227 = arith.index_cast %parallel_loop3A_194 : i32 to index
          %parallel_loop3A_228 = arith.constant 48 : index
          %parallel_loop3A_229 = tpu.vector_load %arg8[%parallel_loop3A_227, %parallel_loop3A_228] {strides = array<i32>} : memref<128x128xf32, #tpu.memory_space<vmem>>, vector<1x16xf32>,
          %parallel_loop3A_230 = vector.shape_cast %parallel_loop3A_229 : vector<1x16xf32> to vector<16xf32>
          %parallel_loop3A_231 = vector.shape_cast %parallel_loop3A_226 : vector<16xf32> to vector<1x16xf32>
          tpu.vector_store %arg8[%parallel_loop3A_227, %parallel_loop3A_228], %parallel_loop3A_231 {add = true, strides = array<i32>} : memref<128x128xf32, #tpu.memory_space<vmem>>, vector<1x16xf32>,
          %parallel_loop3A_232 = arith.index_cast %parallel_loop3A_195 : i32 to index
          %parallel_loop3A_233 = arith.constant 64 : index
          %parallel_loop3A_234 = tpu.vector_load %arg6[%parallel_loop3A_232, %parallel_loop3A_233] {strides = array<i32>} : memref<320x128xf32, #tpu.memory_space<vmem>>, vector<1x16xf32>,
          %parallel_loop3A_235 = vector.shape_cast %parallel_loop3A_234 : vector<1x16xf32> to vector<16xf32>
          %parallel_loop3A_236 = arith.index_cast %parallel_loop3A_194 : i32 to index
          %parallel_loop3A_237 = arith.constant 64 : index
          %parallel_loop3A_238 = tpu.vector_load %arg8[%parallel_loop3A_236, %parallel_loop3A_237] {strides = array<i32>} : memref<128x128xf32, #tpu.memory_space<vmem>>, vector<1x16xf32>,
          %parallel_loop3A_239 = vector.shape_cast %parallel_loop3A_238 : vector<1x16xf32> to vector<16xf32>
          %parallel_loop3A_240 = vector.shape_cast %parallel_loop3A_235 : vector<16xf32> to vector<1x16xf32>
          tpu.vector_store %arg8[%parallel_loop3A_236, %parallel_loop3A_237], %parallel_loop3A_240 {add = true, strides = array<i32>} : memref<128x128xf32, #tpu.memory_space<vmem>>, vector<1x16xf32>,
          %parallel_loop3A_241 = arith.index_cast %parallel_loop3A_195 : i32 to index
          %parallel_loop3A_242 = arith.constant 80 : index
          %parallel_loop3A_243 = tpu.vector_load %arg6[%parallel_loop3A_241, %parallel_loop3A_242] {strides = array<i32>} : memref<320x128xf32, #tpu.memory_space<vmem>>, vector<1x16xf32>,
          %parallel_loop3A_244 = vector.shape_cast %parallel_loop3A_243 : vector<1x16xf32> to vector<16xf32>
          %parallel_loop3A_245 = arith.index_cast %parallel_loop3A_194 : i32 to index
          %parallel_loop3A_246 = arith.constant 80 : index
          %parallel_loop3A_247 = tpu.vector_load %arg8[%parallel_loop3A_245, %parallel_loop3A_246] {strides = array<i32>} : memref<128x128xf32, #tpu.memory_space<vmem>>, vector<1x16xf32>,
          %parallel_loop3A_248 = vector.shape_cast %parallel_loop3A_247 : vector<1x16xf32> to vector<16xf32>
          %parallel_loop3A_249 = vector.shape_cast %parallel_loop3A_244 : vector<16xf32> to vector<1x16xf32>
          tpu.vector_store %arg8[%parallel_loop3A_245, %parallel_loop3A_246], %parallel_loop3A_249 {add = true, strides = array<i32>} : memref<128x128xf32, #tpu.memory_space<vmem>>, vector<1x16xf32>,
          %parallel_loop3A_250 = arith.index_cast %parallel_loop3A_195 : i32 to index
          %parallel_loop3A_251 = arith.constant 96 : index
          %parallel_loop3A_252 = tpu.vector_load %arg6[%parallel_loop3A_250, %parallel_loop3A_251] {strides = array<i32>} : memref<320x128xf32, #tpu.memory_space<vmem>>, vector<1x16xf32>,
          %parallel_loop3A_253 = vector.shape_cast %parallel_loop3A_252 : vector<1x16xf32> to vector<16xf32>
          %parallel_loop3A_254 = arith.index_cast %parallel_loop3A_194 : i32 to index
          %parallel_loop3A_255 = arith.constant 96 : index
          %parallel_loop3A_256 = tpu.vector_load %arg8[%parallel_loop3A_254, %parallel_loop3A_255] {strides = array<i32>} : memref<128x128xf32, #tpu.memory_space<vmem>>, vector<1x16xf32>,
          %parallel_loop3A_257 = vector.shape_cast %parallel_loop3A_256 : vector<1x16xf32> to vector<16xf32>
          %parallel_loop3A_258 = vector.shape_cast %parallel_loop3A_253 : vector<16xf32> to vector<1x16xf32>
          tpu.vector_store %arg8[%parallel_loop3A_254, %parallel_loop3A_255], %parallel_loop3A_258 {add = true, strides = array<i32>} : memref<128x128xf32, #tpu.memory_space<vmem>>, vector<1x16xf32>,
          %parallel_loop3A_259 = arith.index_cast %parallel_loop3A_195 : i32 to index
          %parallel_loop3A_260 = arith.constant 112 : index
          %parallel_loop3A_261 = tpu.vector_load %arg6[%parallel_loop3A_259, %parallel_loop3A_260] {strides = array<i32>} : memref<320x128xf32, #tpu.memory_space<vmem>>, vector<1x16xf32>,
          %parallel_loop3A_262 = vector.shape_cast %parallel_loop3A_261 : vector<1x16xf32> to vector<16xf32>
          %parallel_loop3A_263 = arith.index_cast %parallel_loop3A_194 : i32 to index
          %parallel_loop3A_264 = arith.constant 112 : index
          %parallel_loop3A_265 = tpu.vector_load %arg8[%parallel_loop3A_263, %parallel_loop3A_264] {strides = array<i32>} : memref<128x128xf32, #tpu.memory_space<vmem>>, vector<1x16xf32>,
          %parallel_loop3A_266 = vector.shape_cast %parallel_loop3A_265 : vector<1x16xf32> to vector<16xf32>
          %parallel_loop3A_267 = vector.shape_cast %parallel_loop3A_262 : vector<16xf32> to vector<1x16xf32>
          tpu.vector_store %arg8[%parallel_loop3A_263, %parallel_loop3A_264], %parallel_loop3A_267 {add = true, strides = array<i32>} : memref<128x128xf32, #tpu.memory_space<vmem>>, vector<1x16xf32>,
        } {sc.loop_unroll_factor = 2 : i64, sc.parallel_access}
        %dma_start3A_190 = arith.constant 0 : i32
        %dma_start3A_191 = tpu.memref_slice %arg5[%mul3A_123, %dma_start3A_190] : memref<204800x128xf32, #tpu.memory_space<hbm>> -> memref<128x128xf32, #tpu.memory_space<hbm>>
        %dma_start3A_192 = arith.constant 0 : i32
        %dma_start3A_193 = tpu.memref_slice %arg5[%mul3A_123, %dma_start3A_192] : memref<204800x128xf32, #tpu.memory_space<hbm>> -> memref<128x128xf32, #tpu.memory_space<hbm>>
        tpu.enqueue_dma source(%arg8 : memref<128x128xf32, #tpu.memory_space<vmem>>) target(%dma_start3A_193 : memref<128x128xf32, #tpu.memory_space<hbm>>) target_semaphore(%arg16 : memref<!tpu.dma_semaphore, #tpu.memory_space<semaphore_mem>>)
      } else {
      }
      %add3A_126 = arith.constant 1 : i32
      %add3A_127 = arith.addi %add3A_118, %add3A_126 : i32
      %add3A_128 = arith.addi %mul3A_2, %add3A_127 : i32
      %mul3A_129 = arith.constant 128 : i32
      %mul3A_130 = arith.muli %add3A_128, %mul3A_129 : i32
      %lt3A_131 = arith.constant 50 : i32
      %lt3A_132 = arith.cmpi slt, %add3A_127, %lt3A_131 : i32
      %convert_element_type3A_133 = arith.extui %lt3A_132 : i1 to i32
      %cond3A_134 = arith.constant 0 : i32
      %cond3A_135 = arith.cmpi ne, %convert_element_type3A_133, %cond3A_134 : i32
      scf.if %cond3A_135 {
        %mul3A_156 = arith.constant 128 : i32
        %mul3A_157 = arith.muli %add3A_127, %mul3A_156 : i32
        %dma_wait3A_158 = arith.constant 0 : i32
        %dma_wait3A_159 = arith.constant 0 : i32
        %dma_wait3A_160 = tpu.memref_slice %arg9[%dma_wait3A_158, %dma_wait3A_159] : memref<128x128xf32, #tpu.memory_space<vmem>> -> memref<64x128xf32, #tpu.memory_space<vmem>>
        %dma_wait3A_161 = tpu.memref_slice %arg7[%mul3A_157] : memref<6400xi32, #tpu.memory_space<vmem>> -> memref<64xi32, #tpu.memory_space<vmem>>
        %dma_wait3A_162 = arith.constant 0 : i32
        %dma_wait3A_163 = arith.constant 0 : i32
        %dma_wait3A_164 = tpu.memref_slice %arg3[%dma_wait3A_162, %dma_wait3A_163] : memref<100000x128xf32, #tpu.memory_space<hbm>> -> memref<100000x128xf32, #tpu.memory_space<hbm>>
        tpu.wait_indirect_dma semaphore(%arg13 : memref<!tpu.dma_semaphore, #tpu.memory_space<semaphore_mem>>) src(%dma_wait3A_164 : memref<100000x128xf32, #tpu.memory_space<hbm>>) dst(%dma_wait3A_160 : memref<64x128xf32, #tpu.memory_space<vmem>>)
        %mul3A_165 = arith.constant 128 : i32
        %mul3A_166 = arith.muli %add3A_127, %mul3A_165 : i32
        %add3A_167 = arith.constant 64 : i32
        %add3A_168 = arith.addi %mul3A_166, %add3A_167 : i32
        %dma_wait3A_169 = arith.constant 64 : i32
        %dma_wait3A_170 = arith.constant 0 : i32
        %dma_wait3A_171 = tpu.memref_slice %arg9[%dma_wait3A_169, %dma_wait3A_170] : memref<128x128xf32, #tpu.memory_space<vmem>> -> memref<64x128xf32, #tpu.memory_space<vmem>>
        %dma_wait3A_172 = tpu.memref_slice %arg7[%add3A_168] : memref<6400xi32, #tpu.memory_space<vmem>> -> memref<64xi32, #tpu.memory_space<vmem>>
        %dma_wait3A_173 = arith.constant 0 : i32
        %dma_wait3A_174 = arith.constant 0 : i32
        %dma_wait3A_175 = tpu.memref_slice %arg3[%dma_wait3A_173, %dma_wait3A_174] : memref<100000x128xf32, #tpu.memory_space<hbm>> -> memref<100000x128xf32, #tpu.memory_space<hbm>>
        tpu.wait_indirect_dma semaphore(%arg13 : memref<!tpu.dma_semaphore, #tpu.memory_space<semaphore_mem>>) src(%dma_wait3A_175 : memref<100000x128xf32, #tpu.memory_space<hbm>>) dst(%dma_wait3A_171 : memref<64x128xf32, #tpu.memory_space<vmem>>)
        %ge3A = arith.constant 2 : i32
        %ge3A_176 = arith.cmpi sge, %add3A_127, %ge3A : i32
        %convert_element_type3A_177 = arith.extui %ge3A_176 : i1 to i32
        %cond3A_178 = arith.constant 0 : i32
        %cond3A_179 = arith.cmpi ne, %convert_element_type3A_177, %cond3A_178 : i32
        scf.if %cond3A_179 {
          %sub3A_194 = arith.constant 256 : i32
          %sub3A_195 = arith.subi %mul3A_130, %sub3A_194 : i32
          %dma_wait3A_196 = arith.constant 0 : i32
          %dma_wait3A_197 = tpu.memref_slice %arg5[%sub3A_195, %dma_wait3A_196] : memref<204800x128xf32, #tpu.memory_space<hbm>> -> memref<128x128xf32, #tpu.memory_space<hbm>>
          %dma_wait3A_198 = arith.constant 0 : i32
          %dma_wait3A_199 = tpu.memref_slice %arg5[%sub3A_195, %dma_wait3A_198] : memref<204800x128xf32, #tpu.memory_space<hbm>> -> memref<128x128xf32, #tpu.memory_space<hbm>>
          tpu.wait_dma2 semaphore(%arg19 : memref<!tpu.dma_semaphore, #tpu.memory_space<semaphore_mem>>) src(%arg11 : memref<128x128xf32, #tpu.memory_space<vmem>>) dst(%dma_wait3A_199 : memref<128x128xf32, #tpu.memory_space<hbm>>)
        } else {
        }
        %add3A_180 = arith.constant 2 : i32
        %add3A_181 = arith.addi %add3A_127, %add3A_180 : i32
        %lt3A_182 = arith.constant 50 : i32
        %lt3A_183 = arith.cmpi slt, %add3A_181, %lt3A_182 : i32
        %convert_element_type3A_184 = arith.extui %lt3A_183 : i1 to i32
        %cond3A_185 = arith.constant 0 : i32
        %cond3A_186 = arith.cmpi ne, %convert_element_type3A_184, %cond3A_185 : i32
        scf.if %cond3A_186 {
          %add3A_194 = arith.constant 2 : i32
          %add3A_195 = arith.addi %add3A_127, %add3A_194 : i32
          %mul3A_196 = arith.constant 128 : i32
          %mul3A_197 = arith.muli %add3A_195, %mul3A_196 : i32
          %dma_start3A_198 = arith.constant 0 : i32
          %dma_start3A_199 = arith.constant 0 : i32
          %dma_start3A_200 = tpu.memref_slice %arg11[%dma_start3A_198, %dma_start3A_199] : memref<128x128xf32, #tpu.memory_space<vmem>> -> memref<64x128xf32, #tpu.memory_space<vmem>>
          %dma_start3A_201 = tpu.memref_slice %arg7[%mul3A_197] : memref<6400xi32, #tpu.memory_space<vmem>> -> memref<64xi32, #tpu.memory_space<vmem>>
          %dma_start3A_202 = arith.constant 0 : i32
          %dma_start3A_203 = arith.constant 0 : i32
          %dma_start3A_204 = tpu.memref_slice %arg3[%dma_start3A_202, %dma_start3A_203] : memref<100000x128xf32, #tpu.memory_space<hbm>> -> memref<100000x128xf32, #tpu.memory_space<hbm>>
          tpu.enqueue_indirect_dma source(%dma_start3A_204 : memref<100000x128xf32, #tpu.memory_space<hbm>>) target(%dma_start3A_200 : memref<64x128xf32, #tpu.memory_space<vmem>>) offsets(%dma_start3A_201 : memref<64xi32, #tpu.memory_space<vmem>>) semaphore(%arg15 : memref<!tpu.dma_semaphore, #tpu.memory_space<semaphore_mem>>)
          %mul3A_205 = arith.constant 128 : i32
          %mul3A_206 = arith.muli %add3A_195, %mul3A_205 : i32
          %add3A_207 = arith.constant 64 : i32
          %add3A_208 = arith.addi %mul3A_206, %add3A_207 : i32
          %dma_start3A_209 = arith.constant 64 : i32
          %dma_start3A_210 = arith.constant 0 : i32
          %dma_start3A_211 = tpu.memref_slice %arg11[%dma_start3A_209, %dma_start3A_210] : memref<128x128xf32, #tpu.memory_space<vmem>> -> memref<64x128xf32, #tpu.memory_space<vmem>>
          %dma_start3A_212 = tpu.memref_slice %arg7[%add3A_208] : memref<6400xi32, #tpu.memory_space<vmem>> -> memref<64xi32, #tpu.memory_space<vmem>>
          %dma_start3A_213 = arith.constant 0 : i32
          %dma_start3A_214 = arith.constant 0 : i32
          %dma_start3A_215 = tpu.memref_slice %arg3[%dma_start3A_213, %dma_start3A_214] : memref<100000x128xf32, #tpu.memory_space<hbm>> -> memref<100000x128xf32, #tpu.memory_space<hbm>>
          tpu.enqueue_indirect_dma source(%dma_start3A_215 : memref<100000x128xf32, #tpu.memory_space<hbm>>) target(%dma_start3A_211 : memref<64x128xf32, #tpu.memory_space<vmem>>) offsets(%dma_start3A_212 : memref<64xi32, #tpu.memory_space<vmem>>) semaphore(%arg15 : memref<!tpu.dma_semaphore, #tpu.memory_space<semaphore_mem>>)
        } else {
        }
        %rem3A = arith.constant 200 : i32
        %rem3A_187 = arith.remsi %mul3A_130, %rem3A : i32
        %parallel_loop3A = arith.constant 0 : i32
        %parallel_loop3A_188 = arith.constant 128 : i32
        %parallel_loop3A_189 = arith.constant 1 : i32
        scf.for %parallel_loop3A_194 = %parallel_loop3A to %parallel_loop3A_188 step %parallel_loop3A_189  : i32 {
          %parallel_loop3A_195 = arith.addi %rem3A_187, %parallel_loop3A_194 : i32
          %parallel_loop3A_196 = arith.index_cast %parallel_loop3A_195 : i32 to index
          %parallel_loop3A_197 = arith.constant 0 : index
          %parallel_loop3A_198 = tpu.vector_load %arg6[%parallel_loop3A_196, %parallel_loop3A_197] {strides = array<i32>} : memref<320x128xf32, #tpu.memory_space<vmem>>, vector<1x16xf32>,
          %parallel_loop3A_199 = vector.shape_cast %parallel_loop3A_198 : vector<1x16xf32> to vector<16xf32>
          %parallel_loop3A_200 = arith.index_cast %parallel_loop3A_194 : i32 to index
          %parallel_loop3A_201 = arith.constant 0 : index
          %parallel_loop3A_202 = tpu.vector_load %arg9[%parallel_loop3A_200, %parallel_loop3A_201] {strides = array<i32>} : memref<128x128xf32, #tpu.memory_space<vmem>>, vector<1x16xf32>,
          %parallel_loop3A_203 = vector.shape_cast %parallel_loop3A_202 : vector<1x16xf32> to vector<16xf32>
          %parallel_loop3A_204 = vector.shape_cast %parallel_loop3A_199 : vector<16xf32> to vector<1x16xf32>
          tpu.vector_store %arg9[%parallel_loop3A_200, %parallel_loop3A_201], %parallel_loop3A_204 {add = true, strides = array<i32>} : memref<128x128xf32, #tpu.memory_space<vmem>>, vector<1x16xf32>,
          %parallel_loop3A_205 = arith.index_cast %parallel_loop3A_195 : i32 to index
          %parallel_loop3A_206 = arith.constant 16 : index
          %parallel_loop3A_207 = tpu.vector_load %arg6[%parallel_loop3A_205, %parallel_loop3A_206] {strides = array<i32>} : memref<320x128xf32, #tpu.memory_space<vmem>>, vector<1x16xf32>,
          %parallel_loop3A_208 = vector.shape_cast %parallel_loop3A_207 : vector<1x16xf32> to vector<16xf32>
          %parallel_loop3A_209 = arith.index_cast %parallel_loop3A_194 : i32 to index
          %parallel_loop3A_210 = arith.constant 16 : index
          %parallel_loop3A_211 = tpu.vector_load %arg9[%parallel_loop3A_209, %parallel_loop3A_210] {strides = array<i32>} : memref<128x128xf32, #tpu.memory_space<vmem>>, vector<1x16xf32>,
          %parallel_loop3A_212 = vector.shape_cast %parallel_loop3A_211 : vector<1x16xf32> to vector<16xf32>
          %parallel_loop3A_213 = vector.shape_cast %parallel_loop3A_208 : vector<16xf32> to vector<1x16xf32>
          tpu.vector_store %arg9[%parallel_loop3A_209, %parallel_loop3A_210], %parallel_loop3A_213 {add = true, strides = array<i32>} : memref<128x128xf32, #tpu.memory_space<vmem>>, vector<1x16xf32>,
          %parallel_loop3A_214 = arith.index_cast %parallel_loop3A_195 : i32 to index
          %parallel_loop3A_215 = arith.constant 32 : index
          %parallel_loop3A_216 = tpu.vector_load %arg6[%parallel_loop3A_214, %parallel_loop3A_215] {strides = array<i32>} : memref<320x128xf32, #tpu.memory_space<vmem>>, vector<1x16xf32>,
          %parallel_loop3A_217 = vector.shape_cast %parallel_loop3A_216 : vector<1x16xf32> to vector<16xf32>
          %parallel_loop3A_218 = arith.index_cast %parallel_loop3A_194 : i32 to index
          %parallel_loop3A_219 = arith.constant 32 : index
          %parallel_loop3A_220 = tpu.vector_load %arg9[%parallel_loop3A_218, %parallel_loop3A_219] {strides = array<i32>} : memref<128x128xf32, #tpu.memory_space<vmem>>, vector<1x16xf32>,
          %parallel_loop3A_221 = vector.shape_cast %parallel_loop3A_220 : vector<1x16xf32> to vector<16xf32>
          %parallel_loop3A_222 = vector.shape_cast %parallel_loop3A_217 : vector<16xf32> to vector<1x16xf32>
          tpu.vector_store %arg9[%parallel_loop3A_218, %parallel_loop3A_219], %parallel_loop3A_222 {add = true, strides = array<i32>} : memref<128x128xf32, #tpu.memory_space<vmem>>, vector<1x16xf32>,
          %parallel_loop3A_223 = arith.index_cast %parallel_loop3A_195 : i32 to index
          %parallel_loop3A_224 = arith.constant 48 : index
          %parallel_loop3A_225 = tpu.vector_load %arg6[%parallel_loop3A_223, %parallel_loop3A_224] {strides = array<i32>} : memref<320x128xf32, #tpu.memory_space<vmem>>, vector<1x16xf32>,
          %parallel_loop3A_226 = vector.shape_cast %parallel_loop3A_225 : vector<1x16xf32> to vector<16xf32>
          %parallel_loop3A_227 = arith.index_cast %parallel_loop3A_194 : i32 to index
          %parallel_loop3A_228 = arith.constant 48 : index
          %parallel_loop3A_229 = tpu.vector_load %arg9[%parallel_loop3A_227, %parallel_loop3A_228] {strides = array<i32>} : memref<128x128xf32, #tpu.memory_space<vmem>>, vector<1x16xf32>,
          %parallel_loop3A_230 = vector.shape_cast %parallel_loop3A_229 : vector<1x16xf32> to vector<16xf32>
          %parallel_loop3A_231 = vector.shape_cast %parallel_loop3A_226 : vector<16xf32> to vector<1x16xf32>
          tpu.vector_store %arg9[%parallel_loop3A_227, %parallel_loop3A_228], %parallel_loop3A_231 {add = true, strides = array<i32>} : memref<128x128xf32, #tpu.memory_space<vmem>>, vector<1x16xf32>,
          %parallel_loop3A_232 = arith.index_cast %parallel_loop3A_195 : i32 to index
          %parallel_loop3A_233 = arith.constant 64 : index
          %parallel_loop3A_234 = tpu.vector_load %arg6[%parallel_loop3A_232, %parallel_loop3A_233] {strides = array<i32>} : memref<320x128xf32, #tpu.memory_space<vmem>>, vector<1x16xf32>,
          %parallel_loop3A_235 = vector.shape_cast %parallel_loop3A_234 : vector<1x16xf32> to vector<16xf32>
          %parallel_loop3A_236 = arith.index_cast %parallel_loop3A_194 : i32 to index
          %parallel_loop3A_237 = arith.constant 64 : index
          %parallel_loop3A_238 = tpu.vector_load %arg9[%parallel_loop3A_236, %parallel_loop3A_237] {strides = array<i32>} : memref<128x128xf32, #tpu.memory_space<vmem>>, vector<1x16xf32>,
          %parallel_loop3A_239 = vector.shape_cast %parallel_loop3A_238 : vector<1x16xf32> to vector<16xf32>
          %parallel_loop3A_240 = vector.shape_cast %parallel_loop3A_235 : vector<16xf32> to vector<1x16xf32>
          tpu.vector_store %arg9[%parallel_loop3A_236, %parallel_loop3A_237], %parallel_loop3A_240 {add = true, strides = array<i32>} : memref<128x128xf32, #tpu.memory_space<vmem>>, vector<1x16xf32>,
          %parallel_loop3A_241 = arith.index_cast %parallel_loop3A_195 : i32 to index
          %parallel_loop3A_242 = arith.constant 80 : index
          %parallel_loop3A_243 = tpu.vector_load %arg6[%parallel_loop3A_241, %parallel_loop3A_242] {strides = array<i32>} : memref<320x128xf32, #tpu.memory_space<vmem>>, vector<1x16xf32>,
          %parallel_loop3A_244 = vector.shape_cast %parallel_loop3A_243 : vector<1x16xf32> to vector<16xf32>
          %parallel_loop3A_245 = arith.index_cast %parallel_loop3A_194 : i32 to index
          %parallel_loop3A_246 = arith.constant 80 : index
          %parallel_loop3A_247 = tpu.vector_load %arg9[%parallel_loop3A_245, %parallel_loop3A_246] {strides = array<i32>} : memref<128x128xf32, #tpu.memory_space<vmem>>, vector<1x16xf32>,
          %parallel_loop3A_248 = vector.shape_cast %parallel_loop3A_247 : vector<1x16xf32> to vector<16xf32>
          %parallel_loop3A_249 = vector.shape_cast %parallel_loop3A_244 : vector<16xf32> to vector<1x16xf32>
          tpu.vector_store %arg9[%parallel_loop3A_245, %parallel_loop3A_246], %parallel_loop3A_249 {add = true, strides = array<i32>} : memref<128x128xf32, #tpu.memory_space<vmem>>, vector<1x16xf32>,
          %parallel_loop3A_250 = arith.index_cast %parallel_loop3A_195 : i32 to index
          %parallel_loop3A_251 = arith.constant 96 : index
          %parallel_loop3A_252 = tpu.vector_load %arg6[%parallel_loop3A_250, %parallel_loop3A_251] {strides = array<i32>} : memref<320x128xf32, #tpu.memory_space<vmem>>, vector<1x16xf32>,
          %parallel_loop3A_253 = vector.shape_cast %parallel_loop3A_252 : vector<1x16xf32> to vector<16xf32>
          %parallel_loop3A_254 = arith.index_cast %parallel_loop3A_194 : i32 to index
          %parallel_loop3A_255 = arith.constant 96 : index
          %parallel_loop3A_256 = tpu.vector_load %arg9[%parallel_loop3A_254, %parallel_loop3A_255] {strides = array<i32>} : memref<128x128xf32, #tpu.memory_space<vmem>>, vector<1x16xf32>,
          %parallel_loop3A_257 = vector.shape_cast %parallel_loop3A_256 : vector<1x16xf32> to vector<16xf32>
          %parallel_loop3A_258 = vector.shape_cast %parallel_loop3A_253 : vector<16xf32> to vector<1x16xf32>
          tpu.vector_store %arg9[%parallel_loop3A_254, %parallel_loop3A_255], %parallel_loop3A_258 {add = true, strides = array<i32>} : memref<128x128xf32, #tpu.memory_space<vmem>>, vector<1x16xf32>,
          %parallel_loop3A_259 = arith.index_cast %parallel_loop3A_195 : i32 to index
          %parallel_loop3A_260 = arith.constant 112 : index
          %parallel_loop3A_261 = tpu.vector_load %arg6[%parallel_loop3A_259, %parallel_loop3A_260] {strides = array<i32>} : memref<320x128xf32, #tpu.memory_space<vmem>>, vector<1x16xf32>,
          %parallel_loop3A_262 = vector.shape_cast %parallel_loop3A_261 : vector<1x16xf32> to vector<16xf32>
          %parallel_loop3A_263 = arith.index_cast %parallel_loop3A_194 : i32 to index
          %parallel_loop3A_264 = arith.constant 112 : index
          %parallel_loop3A_265 = tpu.vector_load %arg9[%parallel_loop3A_263, %parallel_loop3A_264] {strides = array<i32>} : memref<128x128xf32, #tpu.memory_space<vmem>>, vector<1x16xf32>,
          %parallel_loop3A_266 = vector.shape_cast %parallel_loop3A_265 : vector<1x16xf32> to vector<16xf32>
          %parallel_loop3A_267 = vector.shape_cast %parallel_loop3A_262 : vector<16xf32> to vector<1x16xf32>
          tpu.vector_store %arg9[%parallel_loop3A_263, %parallel_loop3A_264], %parallel_loop3A_267 {add = true, strides = array<i32>} : memref<128x128xf32, #tpu.memory_space<vmem>>, vector<1x16xf32>,
        } {sc.loop_unroll_factor = 2 : i64, sc.parallel_access}
        %dma_start3A_190 = arith.constant 0 : i32
        %dma_start3A_191 = tpu.memref_slice %arg5[%mul3A_130, %dma_start3A_190] : memref<204800x128xf32, #tpu.memory_space<hbm>> -> memref<128x128xf32, #tpu.memory_space<hbm>>
        %dma_start3A_192 = arith.constant 0 : i32
        %dma_start3A_193 = tpu.memref_slice %arg5[%mul3A_130, %dma_start3A_192] : memref<204800x128xf32, #tpu.memory_space<hbm>> -> memref<128x128xf32, #tpu.memory_space<hbm>>
        tpu.enqueue_dma source(%arg9 : memref<128x128xf32, #tpu.memory_space<vmem>>) target(%dma_start3A_193 : memref<128x128xf32, #tpu.memory_space<hbm>>) target_semaphore(%arg17 : memref<!tpu.dma_semaphore, #tpu.memory_space<semaphore_mem>>)
      } else {
      }
      %add3A_136 = arith.constant 2 : i32
      %add3A_137 = arith.addi %add3A_118, %add3A_136 : i32
      %add3A_138 = arith.addi %mul3A_2, %add3A_137 : i32
      %mul3A_139 = arith.constant 128 : i32
      %mul3A_140 = arith.muli %add3A_138, %mul3A_139 : i32
      %lt3A_141 = arith.constant 50 : i32
      %lt3A_142 = arith.cmpi slt, %add3A_137, %lt3A_141 : i32
      %convert_element_type3A_143 = arith.extui %lt3A_142 : i1 to i32
      %cond3A_144 = arith.constant 0 : i32
      %cond3A_145 = arith.cmpi ne, %convert_element_type3A_143, %cond3A_144 : i32
      scf.if %cond3A_145 {
        %mul3A_156 = arith.constant 128 : i32
        %mul3A_157 = arith.muli %add3A_137, %mul3A_156 : i32
        %dma_wait3A_158 = arith.constant 0 : i32
        %dma_wait3A_159 = arith.constant 0 : i32
        %dma_wait3A_160 = tpu.memref_slice %arg10[%dma_wait3A_158, %dma_wait3A_159] : memref<128x128xf32, #tpu.memory_space<vmem>> -> memref<64x128xf32, #tpu.memory_space<vmem>>
        %dma_wait3A_161 = tpu.memref_slice %arg7[%mul3A_157] : memref<6400xi32, #tpu.memory_space<vmem>> -> memref<64xi32, #tpu.memory_space<vmem>>
        %dma_wait3A_162 = arith.constant 0 : i32
        %dma_wait3A_163 = arith.constant 0 : i32
        %dma_wait3A_164 = tpu.memref_slice %arg3[%dma_wait3A_162, %dma_wait3A_163] : memref<100000x128xf32, #tpu.memory_space<hbm>> -> memref<100000x128xf32, #tpu.memory_space<hbm>>
        tpu.wait_indirect_dma semaphore(%arg14 : memref<!tpu.dma_semaphore, #tpu.memory_space<semaphore_mem>>) src(%dma_wait3A_164 : memref<100000x128xf32, #tpu.memory_space<hbm>>) dst(%dma_wait3A_160 : memref<64x128xf32, #tpu.memory_space<vmem>>)
        %mul3A_165 = arith.constant 128 : i32
        %mul3A_166 = arith.muli %add3A_137, %mul3A_165 : i32
        %add3A_167 = arith.constant 64 : i32
        %add3A_168 = arith.addi %mul3A_166, %add3A_167 : i32
        %dma_wait3A_169 = arith.constant 64 : i32
        %dma_wait3A_170 = arith.constant 0 : i32
        %dma_wait3A_171 = tpu.memref_slice %arg10[%dma_wait3A_169, %dma_wait3A_170] : memref<128x128xf32, #tpu.memory_space<vmem>> -> memref<64x128xf32, #tpu.memory_space<vmem>>
        %dma_wait3A_172 = tpu.memref_slice %arg7[%add3A_168] : memref<6400xi32, #tpu.memory_space<vmem>> -> memref<64xi32, #tpu.memory_space<vmem>>
        %dma_wait3A_173 = arith.constant 0 : i32
        %dma_wait3A_174 = arith.constant 0 : i32
        %dma_wait3A_175 = tpu.memref_slice %arg3[%dma_wait3A_173, %dma_wait3A_174] : memref<100000x128xf32, #tpu.memory_space<hbm>> -> memref<100000x128xf32, #tpu.memory_space<hbm>>
        tpu.wait_indirect_dma semaphore(%arg14 : memref<!tpu.dma_semaphore, #tpu.memory_space<semaphore_mem>>) src(%dma_wait3A_175 : memref<100000x128xf32, #tpu.memory_space<hbm>>) dst(%dma_wait3A_171 : memref<64x128xf32, #tpu.memory_space<vmem>>)
        %ge3A = arith.constant 2 : i32
        %ge3A_176 = arith.cmpi sge, %add3A_137, %ge3A : i32
        %convert_element_type3A_177 = arith.extui %ge3A_176 : i1 to i32
        %cond3A_178 = arith.constant 0 : i32
        %cond3A_179 = arith.cmpi ne, %convert_element_type3A_177, %cond3A_178 : i32
        scf.if %cond3A_179 {
          %sub3A_194 = arith.constant 256 : i32
          %sub3A_195 = arith.subi %mul3A_140, %sub3A_194 : i32
          %dma_wait3A_196 = arith.constant 0 : i32
          %dma_wait3A_197 = tpu.memref_slice %arg5[%sub3A_195, %dma_wait3A_196] : memref<204800x128xf32, #tpu.memory_space<hbm>> -> memref<128x128xf32, #tpu.memory_space<hbm>>
          %dma_wait3A_198 = arith.constant 0 : i32
          %dma_wait3A_199 = tpu.memref_slice %arg5[%sub3A_195, %dma_wait3A_198] : memref<204800x128xf32, #tpu.memory_space<hbm>> -> memref<128x128xf32, #tpu.memory_space<hbm>>
          tpu.wait_dma2 semaphore(%arg16 : memref<!tpu.dma_semaphore, #tpu.memory_space<semaphore_mem>>) src(%arg8 : memref<128x128xf32, #tpu.memory_space<vmem>>) dst(%dma_wait3A_199 : memref<128x128xf32, #tpu.memory_space<hbm>>)
        } else {
        }
        %add3A_180 = arith.constant 2 : i32
        %add3A_181 = arith.addi %add3A_137, %add3A_180 : i32
        %lt3A_182 = arith.constant 50 : i32
        %lt3A_183 = arith.cmpi slt, %add3A_181, %lt3A_182 : i32
        %convert_element_type3A_184 = arith.extui %lt3A_183 : i1 to i32
        %cond3A_185 = arith.constant 0 : i32
        %cond3A_186 = arith.cmpi ne, %convert_element_type3A_184, %cond3A_185 : i32
        scf.if %cond3A_186 {
          %add3A_194 = arith.constant 2 : i32
          %add3A_195 = arith.addi %add3A_137, %add3A_194 : i32
          %mul3A_196 = arith.constant 128 : i32
          %mul3A_197 = arith.muli %add3A_195, %mul3A_196 : i32
          %dma_start3A_198 = arith.constant 0 : i32
          %dma_start3A_199 = arith.constant 0 : i32
          %dma_start3A_200 = tpu.memref_slice %arg8[%dma_start3A_198, %dma_start3A_199] : memref<128x128xf32, #tpu.memory_space<vmem>> -> memref<64x128xf32, #tpu.memory_space<vmem>>
          %dma_start3A_201 = tpu.memref_slice %arg7[%mul3A_197] : memref<6400xi32, #tpu.memory_space<vmem>> -> memref<64xi32, #tpu.memory_space<vmem>>
          %dma_start3A_202 = arith.constant 0 : i32
          %dma_start3A_203 = arith.constant 0 : i32
          %dma_start3A_204 = tpu.memref_slice %arg3[%dma_start3A_202, %dma_start3A_203] : memref<100000x128xf32, #tpu.memory_space<hbm>> -> memref<100000x128xf32, #tpu.memory_space<hbm>>
          tpu.enqueue_indirect_dma source(%dma_start3A_204 : memref<100000x128xf32, #tpu.memory_space<hbm>>) target(%dma_start3A_200 : memref<64x128xf32, #tpu.memory_space<vmem>>) offsets(%dma_start3A_201 : memref<64xi32, #tpu.memory_space<vmem>>) semaphore(%arg12 : memref<!tpu.dma_semaphore, #tpu.memory_space<semaphore_mem>>)
          %mul3A_205 = arith.constant 128 : i32
          %mul3A_206 = arith.muli %add3A_195, %mul3A_205 : i32
          %add3A_207 = arith.constant 64 : i32
          %add3A_208 = arith.addi %mul3A_206, %add3A_207 : i32
          %dma_start3A_209 = arith.constant 64 : i32
          %dma_start3A_210 = arith.constant 0 : i32
          %dma_start3A_211 = tpu.memref_slice %arg8[%dma_start3A_209, %dma_start3A_210] : memref<128x128xf32, #tpu.memory_space<vmem>> -> memref<64x128xf32, #tpu.memory_space<vmem>>
          %dma_start3A_212 = tpu.memref_slice %arg7[%add3A_208] : memref<6400xi32, #tpu.memory_space<vmem>> -> memref<64xi32, #tpu.memory_space<vmem>>
          %dma_start3A_213 = arith.constant 0 : i32
          %dma_start3A_214 = arith.constant 0 : i32
          %dma_start3A_215 = tpu.memref_slice %arg3[%dma_start3A_213, %dma_start3A_214] : memref<100000x128xf32, #tpu.memory_space<hbm>> -> memref<100000x128xf32, #tpu.memory_space<hbm>>
          tpu.enqueue_indirect_dma source(%dma_start3A_215 : memref<100000x128xf32, #tpu.memory_space<hbm>>) target(%dma_start3A_211 : memref<64x128xf32, #tpu.memory_space<vmem>>) offsets(%dma_start3A_212 : memref<64xi32, #tpu.memory_space<vmem>>) semaphore(%arg12 : memref<!tpu.dma_semaphore, #tpu.memory_space<semaphore_mem>>)
        } else {
        }
        %rem3A = arith.constant 200 : i32
        %rem3A_187 = arith.remsi %mul3A_140, %rem3A : i32
        %parallel_loop3A = arith.constant 0 : i32
        %parallel_loop3A_188 = arith.constant 128 : i32
        %parallel_loop3A_189 = arith.constant 1 : i32
        scf.for %parallel_loop3A_194 = %parallel_loop3A to %parallel_loop3A_188 step %parallel_loop3A_189  : i32 {
          %parallel_loop3A_195 = arith.addi %rem3A_187, %parallel_loop3A_194 : i32
          %parallel_loop3A_196 = arith.index_cast %parallel_loop3A_195 : i32 to index
          %parallel_loop3A_197 = arith.constant 0 : index
          %parallel_loop3A_198 = tpu.vector_load %arg6[%parallel_loop3A_196, %parallel_loop3A_197] {strides = array<i32>} : memref<320x128xf32, #tpu.memory_space<vmem>>, vector<1x16xf32>,
          %parallel_loop3A_199 = vector.shape_cast %parallel_loop3A_198 : vector<1x16xf32> to vector<16xf32>
          %parallel_loop3A_200 = arith.index_cast %parallel_loop3A_194 : i32 to index
          %parallel_loop3A_201 = arith.constant 0 : index
          %parallel_loop3A_202 = tpu.vector_load %arg10[%parallel_loop3A_200, %parallel_loop3A_201] {strides = array<i32>} : memref<128x128xf32, #tpu.memory_space<vmem>>, vector<1x16xf32>,
          %parallel_loop3A_203 = vector.shape_cast %parallel_loop3A_202 : vector<1x16xf32> to vector<16xf32>
          %parallel_loop3A_204 = vector.shape_cast %parallel_loop3A_199 : vector<16xf32> to vector<1x16xf32>
          tpu.vector_store %arg10[%parallel_loop3A_200, %parallel_loop3A_201], %parallel_loop3A_204 {add = true, strides = array<i32>} : memref<128x128xf32, #tpu.memory_space<vmem>>, vector<1x16xf32>,
          %parallel_loop3A_205 = arith.index_cast %parallel_loop3A_195 : i32 to index
          %parallel_loop3A_206 = arith.constant 16 : index
          %parallel_loop3A_207 = tpu.vector_load %arg6[%parallel_loop3A_205, %parallel_loop3A_206] {strides = array<i32>} : memref<320x128xf32, #tpu.memory_space<vmem>>, vector<1x16xf32>,
          %parallel_loop3A_208 = vector.shape_cast %parallel_loop3A_207 : vector<1x16xf32> to vector<16xf32>
          %parallel_loop3A_209 = arith.index_cast %parallel_loop3A_194 : i32 to index
          %parallel_loop3A_210 = arith.constant 16 : index
          %parallel_loop3A_211 = tpu.vector_load %arg10[%parallel_loop3A_209, %parallel_loop3A_210] {strides = array<i32>} : memref<128x128xf32, #tpu.memory_space<vmem>>, vector<1x16xf32>,
          %parallel_loop3A_212 = vector.shape_cast %parallel_loop3A_211 : vector<1x16xf32> to vector<16xf32>
          %parallel_loop3A_213 = vector.shape_cast %parallel_loop3A_208 : vector<16xf32> to vector<1x16xf32>
          tpu.vector_store %arg10[%parallel_loop3A_209, %parallel_loop3A_210], %parallel_loop3A_213 {add = true, strides = array<i32>} : memref<128x128xf32, #tpu.memory_space<vmem>>, vector<1x16xf32>,
          %parallel_loop3A_214 = arith.index_cast %parallel_loop3A_195 : i32 to index
          %parallel_loop3A_215 = arith.constant 32 : index
          %parallel_loop3A_216 = tpu.vector_load %arg6[%parallel_loop3A_214, %parallel_loop3A_215] {strides = array<i32>} : memref<320x128xf32, #tpu.memory_space<vmem>>, vector<1x16xf32>,
          %parallel_loop3A_217 = vector.shape_cast %parallel_loop3A_216 : vector<1x16xf32> to vector<16xf32>
          %parallel_loop3A_218 = arith.index_cast %parallel_loop3A_194 : i32 to index
          %parallel_loop3A_219 = arith.constant 32 : index
          %parallel_loop3A_220 = tpu.vector_load %arg10[%parallel_loop3A_218, %parallel_loop3A_219] {strides = array<i32>} : memref<128x128xf32, #tpu.memory_space<vmem>>, vector<1x16xf32>,
          %parallel_loop3A_221 = vector.shape_cast %parallel_loop3A_220 : vector<1x16xf32> to vector<16xf32>
          %parallel_loop3A_222 = vector.shape_cast %parallel_loop3A_217 : vector<16xf32> to vector<1x16xf32>
          tpu.vector_store %arg10[%parallel_loop3A_218, %parallel_loop3A_219], %parallel_loop3A_222 {add = true, strides = array<i32>} : memref<128x128xf32, #tpu.memory_space<vmem>>, vector<1x16xf32>,
          %parallel_loop3A_223 = arith.index_cast %parallel_loop3A_195 : i32 to index
          %parallel_loop3A_224 = arith.constant 48 : index
          %parallel_loop3A_225 = tpu.vector_load %arg6[%parallel_loop3A_223, %parallel_loop3A_224] {strides = array<i32>} : memref<320x128xf32, #tpu.memory_space<vmem>>, vector<1x16xf32>,
          %parallel_loop3A_226 = vector.shape_cast %parallel_loop3A_225 : vector<1x16xf32> to vector<16xf32>
          %parallel_loop3A_227 = arith.index_cast %parallel_loop3A_194 : i32 to index
          %parallel_loop3A_228 = arith.constant 48 : index
          %parallel_loop3A_229 = tpu.vector_load %arg10[%parallel_loop3A_227, %parallel_loop3A_228] {strides = array<i32>} : memref<128x128xf32, #tpu.memory_space<vmem>>, vector<1x16xf32>,
          %parallel_loop3A_230 = vector.shape_cast %parallel_loop3A_229 : vector<1x16xf32> to vector<16xf32>
          %parallel_loop3A_231 = vector.shape_cast %parallel_loop3A_226 : vector<16xf32> to vector<1x16xf32>
          tpu.vector_store %arg10[%parallel_loop3A_227, %parallel_loop3A_228], %parallel_loop3A_231 {add = true, strides = array<i32>} : memref<128x128xf32, #tpu.memory_space<vmem>>, vector<1x16xf32>,
          %parallel_loop3A_232 = arith.index_cast %parallel_loop3A_195 : i32 to index
          %parallel_loop3A_233 = arith.constant 64 : index
          %parallel_loop3A_234 = tpu.vector_load %arg6[%parallel_loop3A_232, %parallel_loop3A_233] {strides = array<i32>} : memref<320x128xf32, #tpu.memory_space<vmem>>, vector<1x16xf32>,
          %parallel_loop3A_235 = vector.shape_cast %parallel_loop3A_234 : vector<1x16xf32> to vector<16xf32>
          %parallel_loop3A_236 = arith.index_cast %parallel_loop3A_194 : i32 to index
          %parallel_loop3A_237 = arith.constant 64 : index
          %parallel_loop3A_238 = tpu.vector_load %arg10[%parallel_loop3A_236, %parallel_loop3A_237] {strides = array<i32>} : memref<128x128xf32, #tpu.memory_space<vmem>>, vector<1x16xf32>,
          %parallel_loop3A_239 = vector.shape_cast %parallel_loop3A_238 : vector<1x16xf32> to vector<16xf32>
          %parallel_loop3A_240 = vector.shape_cast %parallel_loop3A_235 : vector<16xf32> to vector<1x16xf32>
          tpu.vector_store %arg10[%parallel_loop3A_236, %parallel_loop3A_237], %parallel_loop3A_240 {add = true, strides = array<i32>} : memref<128x128xf32, #tpu.memory_space<vmem>>, vector<1x16xf32>,
          %parallel_loop3A_241 = arith.index_cast %parallel_loop3A_195 : i32 to index
          %parallel_loop3A_242 = arith.constant 80 : index
          %parallel_loop3A_243 = tpu.vector_load %arg6[%parallel_loop3A_241, %parallel_loop3A_242] {strides = array<i32>} : memref<320x128xf32, #tpu.memory_space<vmem>>, vector<1x16xf32>,
          %parallel_loop3A_244 = vector.shape_cast %parallel_loop3A_243 : vector<1x16xf32> to vector<16xf32>
          %parallel_loop3A_245 = arith.index_cast %parallel_loop3A_194 : i32 to index
          %parallel_loop3A_246 = arith.constant 80 : index
          %parallel_loop3A_247 = tpu.vector_load %arg10[%parallel_loop3A_245, %parallel_loop3A_246] {strides = array<i32>} : memref<128x128xf32, #tpu.memory_space<vmem>>, vector<1x16xf32>,
          %parallel_loop3A_248 = vector.shape_cast %parallel_loop3A_247 : vector<1x16xf32> to vector<16xf32>
          %parallel_loop3A_249 = vector.shape_cast %parallel_loop3A_244 : vector<16xf32> to vector<1x16xf32>
          tpu.vector_store %arg10[%parallel_loop3A_245, %parallel_loop3A_246], %parallel_loop3A_249 {add = true, strides = array<i32>} : memref<128x128xf32, #tpu.memory_space<vmem>>, vector<1x16xf32>,
          %parallel_loop3A_250 = arith.index_cast %parallel_loop3A_195 : i32 to index
          %parallel_loop3A_251 = arith.constant 96 : index
          %parallel_loop3A_252 = tpu.vector_load %arg6[%parallel_loop3A_250, %parallel_loop3A_251] {strides = array<i32>} : memref<320x128xf32, #tpu.memory_space<vmem>>, vector<1x16xf32>,
          %parallel_loop3A_253 = vector.shape_cast %parallel_loop3A_252 : vector<1x16xf32> to vector<16xf32>
          %parallel_loop3A_254 = arith.index_cast %parallel_loop3A_194 : i32 to index
          %parallel_loop3A_255 = arith.constant 96 : index
          %parallel_loop3A_256 = tpu.vector_load %arg10[%parallel_loop3A_254, %parallel_loop3A_255] {strides = array<i32>} : memref<128x128xf32, #tpu.memory_space<vmem>>, vector<1x16xf32>,
          %parallel_loop3A_257 = vector.shape_cast %parallel_loop3A_256 : vector<1x16xf32> to vector<16xf32>
          %parallel_loop3A_258 = vector.shape_cast %parallel_loop3A_253 : vector<16xf32> to vector<1x16xf32>
          tpu.vector_store %arg10[%parallel_loop3A_254, %parallel_loop3A_255], %parallel_loop3A_258 {add = true, strides = array<i32>} : memref<128x128xf32, #tpu.memory_space<vmem>>, vector<1x16xf32>,
          %parallel_loop3A_259 = arith.index_cast %parallel_loop3A_195 : i32 to index
          %parallel_loop3A_260 = arith.constant 112 : index
          %parallel_loop3A_261 = tpu.vector_load %arg6[%parallel_loop3A_259, %parallel_loop3A_260] {strides = array<i32>} : memref<320x128xf32, #tpu.memory_space<vmem>>, vector<1x16xf32>,
          %parallel_loop3A_262 = vector.shape_cast %parallel_loop3A_261 : vector<1x16xf32> to vector<16xf32>
          %parallel_loop3A_263 = arith.index_cast %parallel_loop3A_194 : i32 to index
          %parallel_loop3A_264 = arith.constant 112 : index
          %parallel_loop3A_265 = tpu.vector_load %arg10[%parallel_loop3A_263, %parallel_loop3A_264] {strides = array<i32>} : memref<128x128xf32, #tpu.memory_space<vmem>>, vector<1x16xf32>,
          %parallel_loop3A_266 = vector.shape_cast %parallel_loop3A_265 : vector<1x16xf32> to vector<16xf32>
          %parallel_loop3A_267 = vector.shape_cast %parallel_loop3A_262 : vector<16xf32> to vector<1x16xf32>
          tpu.vector_store %arg10[%parallel_loop3A_263, %parallel_loop3A_264], %parallel_loop3A_267 {add = true, strides = array<i32>} : memref<128x128xf32, #tpu.memory_space<vmem>>, vector<1x16xf32>,
        } {sc.loop_unroll_factor = 2 : i64, sc.parallel_access}
        %dma_start3A_190 = arith.constant 0 : i32
        %dma_start3A_191 = tpu.memref_slice %arg5[%mul3A_140, %dma_start3A_190] : memref<204800x128xf32, #tpu.memory_space<hbm>> -> memref<128x128xf32, #tpu.memory_space<hbm>>
        %dma_start3A_192 = arith.constant 0 : i32
        %dma_start3A_193 = tpu.memref_slice %arg5[%mul3A_140, %dma_start3A_192] : memref<204800x128xf32, #tpu.memory_space<hbm>> -> memref<128x128xf32, #tpu.memory_space<hbm>>
        tpu.enqueue_dma source(%arg10 : memref<128x128xf32, #tpu.memory_space<vmem>>) target(%dma_start3A_193 : memref<128x128xf32, #tpu.memory_space<hbm>>) target_semaphore(%arg18 : memref<!tpu.dma_semaphore, #tpu.memory_space<semaphore_mem>>)
      } else {
      }
      %add3A_146 = arith.constant 3 : i32
      %add3A_147 = arith.addi %add3A_118, %add3A_146 : i32
      %add3A_148 = arith.addi %mul3A_2, %add3A_147 : i32
      %mul3A_149 = arith.constant 128 : i32
      %mul3A_150 = arith.muli %add3A_148, %mul3A_149 : i32
      %lt3A_151 = arith.constant 50 : i32
      %lt3A_152 = arith.cmpi slt, %add3A_147, %lt3A_151 : i32
      %convert_element_type3A_153 = arith.extui %lt3A_152 : i1 to i32
      %cond3A_154 = arith.constant 0 : i32
      %cond3A_155 = arith.cmpi ne, %convert_element_type3A_153, %cond3A_154 : i32
      scf.if %cond3A_155 {
        %mul3A_156 = arith.constant 128 : i32
        %mul3A_157 = arith.muli %add3A_147, %mul3A_156 : i32
        %dma_wait3A_158 = arith.constant 0 : i32
        %dma_wait3A_159 = arith.constant 0 : i32
        %dma_wait3A_160 = tpu.memref_slice %arg11[%dma_wait3A_158, %dma_wait3A_159] : memref<128x128xf32, #tpu.memory_space<vmem>> -> memref<64x128xf32, #tpu.memory_space<vmem>>
        %dma_wait3A_161 = tpu.memref_slice %arg7[%mul3A_157] : memref<6400xi32, #tpu.memory_space<vmem>> -> memref<64xi32, #tpu.memory_space<vmem>>
        %dma_wait3A_162 = arith.constant 0 : i32
        %dma_wait3A_163 = arith.constant 0 : i32
        %dma_wait3A_164 = tpu.memref_slice %arg3[%dma_wait3A_162, %dma_wait3A_163] : memref<100000x128xf32, #tpu.memory_space<hbm>> -> memref<100000x128xf32, #tpu.memory_space<hbm>>
        tpu.wait_indirect_dma semaphore(%arg15 : memref<!tpu.dma_semaphore, #tpu.memory_space<semaphore_mem>>) src(%dma_wait3A_164 : memref<100000x128xf32, #tpu.memory_space<hbm>>) dst(%dma_wait3A_160 : memref<64x128xf32, #tpu.memory_space<vmem>>)
        %mul3A_165 = arith.constant 128 : i32
        %mul3A_166 = arith.muli %add3A_147, %mul3A_165 : i32
        %add3A_167 = arith.constant 64 : i32
        %add3A_168 = arith.addi %mul3A_166, %add3A_167 : i32
        %dma_wait3A_169 = arith.constant 64 : i32
        %dma_wait3A_170 = arith.constant 0 : i32
        %dma_wait3A_171 = tpu.memref_slice %arg11[%dma_wait3A_169, %dma_wait3A_170] : memref<128x128xf32, #tpu.memory_space<vmem>> -> memref<64x128xf32, #tpu.memory_space<vmem>>
        %dma_wait3A_172 = tpu.memref_slice %arg7[%add3A_168] : memref<6400xi32, #tpu.memory_space<vmem>> -> memref<64xi32, #tpu.memory_space<vmem>>
        %dma_wait3A_173 = arith.constant 0 : i32
        %dma_wait3A_174 = arith.constant 0 : i32
        %dma_wait3A_175 = tpu.memref_slice %arg3[%dma_wait3A_173, %dma_wait3A_174] : memref<100000x128xf32, #tpu.memory_space<hbm>> -> memref<100000x128xf32, #tpu.memory_space<hbm>>
        tpu.wait_indirect_dma semaphore(%arg15 : memref<!tpu.dma_semaphore, #tpu.memory_space<semaphore_mem>>) src(%dma_wait3A_175 : memref<100000x128xf32, #tpu.memory_space<hbm>>) dst(%dma_wait3A_171 : memref<64x128xf32, #tpu.memory_space<vmem>>)
        %ge3A = arith.constant 2 : i32
        %ge3A_176 = arith.cmpi sge, %add3A_147, %ge3A : i32
        %convert_element_type3A_177 = arith.extui %ge3A_176 : i1 to i32
        %cond3A_178 = arith.constant 0 : i32
        %cond3A_179 = arith.cmpi ne, %convert_element_type3A_177, %cond3A_178 : i32
        scf.if %cond3A_179 {
          %sub3A_194 = arith.constant 256 : i32
          %sub3A_195 = arith.subi %mul3A_150, %sub3A_194 : i32
          %dma_wait3A_196 = arith.constant 0 : i32
          %dma_wait3A_197 = tpu.memref_slice %arg5[%sub3A_195, %dma_wait3A_196] : memref<204800x128xf32, #tpu.memory_space<hbm>> -> memref<128x128xf32, #tpu.memory_space<hbm>>
          %dma_wait3A_198 = arith.constant 0 : i32
          %dma_wait3A_199 = tpu.memref_slice %arg5[%sub3A_195, %dma_wait3A_198] : memref<204800x128xf32, #tpu.memory_space<hbm>> -> memref<128x128xf32, #tpu.memory_space<hbm>>
          tpu.wait_dma2 semaphore(%arg17 : memref<!tpu.dma_semaphore, #tpu.memory_space<semaphore_mem>>) src(%arg9 : memref<128x128xf32, #tpu.memory_space<vmem>>) dst(%dma_wait3A_199 : memref<128x128xf32, #tpu.memory_space<hbm>>)
        } else {
        }
        %add3A_180 = arith.constant 2 : i32
        %add3A_181 = arith.addi %add3A_147, %add3A_180 : i32
        %lt3A_182 = arith.constant 50 : i32
        %lt3A_183 = arith.cmpi slt, %add3A_181, %lt3A_182 : i32
        %convert_element_type3A_184 = arith.extui %lt3A_183 : i1 to i32
        %cond3A_185 = arith.constant 0 : i32
        %cond3A_186 = arith.cmpi ne, %convert_element_type3A_184, %cond3A_185 : i32
        scf.if %cond3A_186 {
          %add3A_194 = arith.constant 2 : i32
          %add3A_195 = arith.addi %add3A_147, %add3A_194 : i32
          %mul3A_196 = arith.constant 128 : i32
          %mul3A_197 = arith.muli %add3A_195, %mul3A_196 : i32
          %dma_start3A_198 = arith.constant 0 : i32
          %dma_start3A_199 = arith.constant 0 : i32
          %dma_start3A_200 = tpu.memref_slice %arg9[%dma_start3A_198, %dma_start3A_199] : memref<128x128xf32, #tpu.memory_space<vmem>> -> memref<64x128xf32, #tpu.memory_space<vmem>>
          %dma_start3A_201 = tpu.memref_slice %arg7[%mul3A_197] : memref<6400xi32, #tpu.memory_space<vmem>> -> memref<64xi32, #tpu.memory_space<vmem>>
          %dma_start3A_202 = arith.constant 0 : i32
          %dma_start3A_203 = arith.constant 0 : i32
          %dma_start3A_204 = tpu.memref_slice %arg3[%dma_start3A_202, %dma_start3A_203] : memref<100000x128xf32, #tpu.memory_space<hbm>> -> memref<100000x128xf32, #tpu.memory_space<hbm>>
          tpu.enqueue_indirect_dma source(%dma_start3A_204 : memref<100000x128xf32, #tpu.memory_space<hbm>>) target(%dma_start3A_200 : memref<64x128xf32, #tpu.memory_space<vmem>>) offsets(%dma_start3A_201 : memref<64xi32, #tpu.memory_space<vmem>>) semaphore(%arg13 : memref<!tpu.dma_semaphore, #tpu.memory_space<semaphore_mem>>)
          %mul3A_205 = arith.constant 128 : i32
          %mul3A_206 = arith.muli %add3A_195, %mul3A_205 : i32
          %add3A_207 = arith.constant 64 : i32
          %add3A_208 = arith.addi %mul3A_206, %add3A_207 : i32
          %dma_start3A_209 = arith.constant 64 : i32
          %dma_start3A_210 = arith.constant 0 : i32
          %dma_start3A_211 = tpu.memref_slice %arg9[%dma_start3A_209, %dma_start3A_210] : memref<128x128xf32, #tpu.memory_space<vmem>> -> memref<64x128xf32, #tpu.memory_space<vmem>>
          %dma_start3A_212 = tpu.memref_slice %arg7[%add3A_208] : memref<6400xi32, #tpu.memory_space<vmem>> -> memref<64xi32, #tpu.memory_space<vmem>>
          %dma_start3A_213 = arith.constant 0 : i32
          %dma_start3A_214 = arith.constant 0 : i32
          %dma_start3A_215 = tpu.memref_slice %arg3[%dma_start3A_213, %dma_start3A_214] : memref<100000x128xf32, #tpu.memory_space<hbm>> -> memref<100000x128xf32, #tpu.memory_space<hbm>>
          tpu.enqueue_indirect_dma source(%dma_start3A_215 : memref<100000x128xf32, #tpu.memory_space<hbm>>) target(%dma_start3A_211 : memref<64x128xf32, #tpu.memory_space<vmem>>) offsets(%dma_start3A_212 : memref<64xi32, #tpu.memory_space<vmem>>) semaphore(%arg13 : memref<!tpu.dma_semaphore, #tpu.memory_space<semaphore_mem>>)
        } else {
        }
        %rem3A = arith.constant 200 : i32
        %rem3A_187 = arith.remsi %mul3A_150, %rem3A : i32
        %parallel_loop3A = arith.constant 0 : i32
        %parallel_loop3A_188 = arith.constant 128 : i32
        %parallel_loop3A_189 = arith.constant 1 : i32
        scf.for %parallel_loop3A_194 = %parallel_loop3A to %parallel_loop3A_188 step %parallel_loop3A_189  : i32 {
          %parallel_loop3A_195 = arith.addi %rem3A_187, %parallel_loop3A_194 : i32
          %parallel_loop3A_196 = arith.index_cast %parallel_loop3A_195 : i32 to index
          %parallel_loop3A_197 = arith.constant 0 : index
          %parallel_loop3A_198 = tpu.vector_load %arg6[%parallel_loop3A_196, %parallel_loop3A_197] {strides = array<i32>} : memref<320x128xf32, #tpu.memory_space<vmem>>, vector<1x16xf32>,
          %parallel_loop3A_199 = vector.shape_cast %parallel_loop3A_198 : vector<1x16xf32> to vector<16xf32>
          %parallel_loop3A_200 = arith.index_cast %parallel_loop3A_194 : i32 to index
          %parallel_loop3A_201 = arith.constant 0 : index
          %parallel_loop3A_202 = tpu.vector_load %arg11[%parallel_loop3A_200, %parallel_loop3A_201] {strides = array<i32>} : memref<128x128xf32, #tpu.memory_space<vmem>>, vector<1x16xf32>,
          %parallel_loop3A_203 = vector.shape_cast %parallel_loop3A_202 : vector<1x16xf32> to vector<16xf32>
          %parallel_loop3A_204 = vector.shape_cast %parallel_loop3A_199 : vector<16xf32> to vector<1x16xf32>
          tpu.vector_store %arg11[%parallel_loop3A_200, %parallel_loop3A_201], %parallel_loop3A_204 {add = true, strides = array<i32>} : memref<128x128xf32, #tpu.memory_space<vmem>>, vector<1x16xf32>,
          %parallel_loop3A_205 = arith.index_cast %parallel_loop3A_195 : i32 to index
          %parallel_loop3A_206 = arith.constant 16 : index
          %parallel_loop3A_207 = tpu.vector_load %arg6[%parallel_loop3A_205, %parallel_loop3A_206] {strides = array<i32>} : memref<320x128xf32, #tpu.memory_space<vmem>>, vector<1x16xf32>,
          %parallel_loop3A_208 = vector.shape_cast %parallel_loop3A_207 : vector<1x16xf32> to vector<16xf32>
          %parallel_loop3A_209 = arith.index_cast %parallel_loop3A_194 : i32 to index
          %parallel_loop3A_210 = arith.constant 16 : index
          %parallel_loop3A_211 = tpu.vector_load %arg11[%parallel_loop3A_209, %parallel_loop3A_210] {strides = array<i32>} : memref<128x128xf32, #tpu.memory_space<vmem>>, vector<1x16xf32>,
          %parallel_loop3A_212 = vector.shape_cast %parallel_loop3A_211 : vector<1x16xf32> to vector<16xf32>
          %parallel_loop3A_213 = vector.shape_cast %parallel_loop3A_208 : vector<16xf32> to vector<1x16xf32>
          tpu.vector_store %arg11[%parallel_loop3A_209, %parallel_loop3A_210], %parallel_loop3A_213 {add = true, strides = array<i32>} : memref<128x128xf32, #tpu.memory_space<vmem>>, vector<1x16xf32>,
          %parallel_loop3A_214 = arith.index_cast %parallel_loop3A_195 : i32 to index
          %parallel_loop3A_215 = arith.constant 32 : index
          %parallel_loop3A_216 = tpu.vector_load %arg6[%parallel_loop3A_214, %parallel_loop3A_215] {strides = array<i32>} : memref<320x128xf32, #tpu.memory_space<vmem>>, vector<1x16xf32>,
          %parallel_loop3A_217 = vector.shape_cast %parallel_loop3A_216 : vector<1x16xf32> to vector<16xf32>
          %parallel_loop3A_218 = arith.index_cast %parallel_loop3A_194 : i32 to index
          %parallel_loop3A_219 = arith.constant 32 : index
          %parallel_loop3A_220 = tpu.vector_load %arg11[%parallel_loop3A_218, %parallel_loop3A_219] {strides = array<i32>} : memref<128x128xf32, #tpu.memory_space<vmem>>, vector<1x16xf32>,
          %parallel_loop3A_221 = vector.shape_cast %parallel_loop3A_220 : vector<1x16xf32> to vector<16xf32>
          %parallel_loop3A_222 = vector.shape_cast %parallel_loop3A_217 : vector<16xf32> to vector<1x16xf32>
          tpu.vector_store %arg11[%parallel_loop3A_218, %parallel_loop3A_219], %parallel_loop3A_222 {add = true, strides = array<i32>} : memref<128x128xf32, #tpu.memory_space<vmem>>, vector<1x16xf32>,
          %parallel_loop3A_223 = arith.index_cast %parallel_loop3A_195 : i32 to index
          %parallel_loop3A_224 = arith.constant 48 : index
          %parallel_loop3A_225 = tpu.vector_load %arg6[%parallel_loop3A_223, %parallel_loop3A_224] {strides = array<i32>} : memref<320x128xf32, #tpu.memory_space<vmem>>, vector<1x16xf32>,
          %parallel_loop3A_226 = vector.shape_cast %parallel_loop3A_225 : vector<1x16xf32> to vector<16xf32>
          %parallel_loop3A_227 = arith.index_cast %parallel_loop3A_194 : i32 to index
          %parallel_loop3A_228 = arith.constant 48 : index
          %parallel_loop3A_229 = tpu.vector_load %arg11[%parallel_loop3A_227, %parallel_loop3A_228] {strides = array<i32>} : memref<128x128xf32, #tpu.memory_space<vmem>>, vector<1x16xf32>,
          %parallel_loop3A_230 = vector.shape_cast %parallel_loop3A_229 : vector<1x16xf32> to vector<16xf32>
          %parallel_loop3A_231 = vector.shape_cast %parallel_loop3A_226 : vector<16xf32> to vector<1x16xf32>
          tpu.vector_store %arg11[%parallel_loop3A_227, %parallel_loop3A_228], %parallel_loop3A_231 {add = true, strides = array<i32>} : memref<128x128xf32, #tpu.memory_space<vmem>>, vector<1x16xf32>,
          %parallel_loop3A_232 = arith.index_cast %parallel_loop3A_195 : i32 to index
          %parallel_loop3A_233 = arith.constant 64 : index
          %parallel_loop3A_234 = tpu.vector_load %arg6[%parallel_loop3A_232, %parallel_loop3A_233] {strides = array<i32>} : memref<320x128xf32, #tpu.memory_space<vmem>>, vector<1x16xf32>,
          %parallel_loop3A_235 = vector.shape_cast %parallel_loop3A_234 : vector<1x16xf32> to vector<16xf32>
          %parallel_loop3A_236 = arith.index_cast %parallel_loop3A_194 : i32 to index
          %parallel_loop3A_237 = arith.constant 64 : index
          %parallel_loop3A_238 = tpu.vector_load %arg11[%parallel_loop3A_236, %parallel_loop3A_237] {strides = array<i32>} : memref<128x128xf32, #tpu.memory_space<vmem>>, vector<1x16xf32>,
          %parallel_loop3A_239 = vector.shape_cast %parallel_loop3A_238 : vector<1x16xf32> to vector<16xf32>
          %parallel_loop3A_240 = vector.shape_cast %parallel_loop3A_235 : vector<16xf32> to vector<1x16xf32>
          tpu.vector_store %arg11[%parallel_loop3A_236, %parallel_loop3A_237], %parallel_loop3A_240 {add = true, strides = array<i32>} : memref<128x128xf32, #tpu.memory_space<vmem>>, vector<1x16xf32>,
          %parallel_loop3A_241 = arith.index_cast %parallel_loop3A_195 : i32 to index
          %parallel_loop3A_242 = arith.constant 80 : index
          %parallel_loop3A_243 = tpu.vector_load %arg6[%parallel_loop3A_241, %parallel_loop3A_242] {strides = array<i32>} : memref<320x128xf32, #tpu.memory_space<vmem>>, vector<1x16xf32>,
          %parallel_loop3A_244 = vector.shape_cast %parallel_loop3A_243 : vector<1x16xf32> to vector<16xf32>
          %parallel_loop3A_245 = arith.index_cast %parallel_loop3A_194 : i32 to index
          %parallel_loop3A_246 = arith.constant 80 : index
          %parallel_loop3A_247 = tpu.vector_load %arg11[%parallel_loop3A_245, %parallel_loop3A_246] {strides = array<i32>} : memref<128x128xf32, #tpu.memory_space<vmem>>, vector<1x16xf32>,
          %parallel_loop3A_248 = vector.shape_cast %parallel_loop3A_247 : vector<1x16xf32> to vector<16xf32>
          %parallel_loop3A_249 = vector.shape_cast %parallel_loop3A_244 : vector<16xf32> to vector<1x16xf32>
          tpu.vector_store %arg11[%parallel_loop3A_245, %parallel_loop3A_246], %parallel_loop3A_249 {add = true, strides = array<i32>} : memref<128x128xf32, #tpu.memory_space<vmem>>, vector<1x16xf32>,
          %parallel_loop3A_250 = arith.index_cast %parallel_loop3A_195 : i32 to index
          %parallel_loop3A_251 = arith.constant 96 : index
          %parallel_loop3A_252 = tpu.vector_load %arg6[%parallel_loop3A_250, %parallel_loop3A_251] {strides = array<i32>} : memref<320x128xf32, #tpu.memory_space<vmem>>, vector<1x16xf32>,
          %parallel_loop3A_253 = vector.shape_cast %parallel_loop3A_252 : vector<1x16xf32> to vector<16xf32>
          %parallel_loop3A_254 = arith.index_cast %parallel_loop3A_194 : i32 to index
          %parallel_loop3A_255 = arith.constant 96 : index
          %parallel_loop3A_256 = tpu.vector_load %arg11[%parallel_loop3A_254, %parallel_loop3A_255] {strides = array<i32>} : memref<128x128xf32, #tpu.memory_space<vmem>>, vector<1x16xf32>,
          %parallel_loop3A_257 = vector.shape_cast %parallel_loop3A_256 : vector<1x16xf32> to vector<16xf32>
          %parallel_loop3A_258 = vector.shape_cast %parallel_loop3A_253 : vector<16xf32> to vector<1x16xf32>
          tpu.vector_store %arg11[%parallel_loop3A_254, %parallel_loop3A_255], %parallel_loop3A_258 {add = true, strides = array<i32>} : memref<128x128xf32, #tpu.memory_space<vmem>>, vector<1x16xf32>,
          %parallel_loop3A_259 = arith.index_cast %parallel_loop3A_195 : i32 to index
          %parallel_loop3A_260 = arith.constant 112 : index
          %parallel_loop3A_261 = tpu.vector_load %arg6[%parallel_loop3A_259, %parallel_loop3A_260] {strides = array<i32>} : memref<320x128xf32, #tpu.memory_space<vmem>>, vector<1x16xf32>,
          %parallel_loop3A_262 = vector.shape_cast %parallel_loop3A_261 : vector<1x16xf32> to vector<16xf32>
          %parallel_loop3A_263 = arith.index_cast %parallel_loop3A_194 : i32 to index
          %parallel_loop3A_264 = arith.constant 112 : index
          %parallel_loop3A_265 = tpu.vector_load %arg11[%parallel_loop3A_263, %parallel_loop3A_264] {strides = array<i32>} : memref<128x128xf32, #tpu.memory_space<vmem>>, vector<1x16xf32>,
          %parallel_loop3A_266 = vector.shape_cast %parallel_loop3A_265 : vector<1x16xf32> to vector<16xf32>
          %parallel_loop3A_267 = vector.shape_cast %parallel_loop3A_262 : vector<16xf32> to vector<1x16xf32>
          tpu.vector_store %arg11[%parallel_loop3A_263, %parallel_loop3A_264], %parallel_loop3A_267 {add = true, strides = array<i32>} : memref<128x128xf32, #tpu.memory_space<vmem>>, vector<1x16xf32>,
        } {sc.loop_unroll_factor = 2 : i64, sc.parallel_access}
        %dma_start3A_190 = arith.constant 0 : i32
        %dma_start3A_191 = tpu.memref_slice %arg5[%mul3A_150, %dma_start3A_190] : memref<204800x128xf32, #tpu.memory_space<hbm>> -> memref<128x128xf32, #tpu.memory_space<hbm>>
        %dma_start3A_192 = arith.constant 0 : i32
        %dma_start3A_193 = tpu.memref_slice %arg5[%mul3A_150, %dma_start3A_192] : memref<204800x128xf32, #tpu.memory_space<hbm>> -> memref<128x128xf32, #tpu.memory_space<hbm>>
        tpu.enqueue_dma source(%arg11 : memref<128x128xf32, #tpu.memory_space<vmem>>) target(%dma_start3A_193 : memref<128x128xf32, #tpu.memory_space<hbm>>) target_semaphore(%arg19 : memref<!tpu.dma_semaphore, #tpu.memory_space<semaphore_mem>>)
      } else {
      }
    }
    %add3A_100 = arith.constant 48 : i32
    %add3A_101 = arith.addi %mul3A_2, %add3A_100 : i32
    %mul3A_102 = arith.constant 128 : i32
    %mul3A_103 = arith.muli %add3A_101, %mul3A_102 : i32
    %dma_wait3A_104 = arith.constant 0 : i32
    %dma_wait3A_105 = tpu.memref_slice %arg5[%mul3A_103, %dma_wait3A_104] : memref<204800x128xf32, #tpu.memory_space<hbm>> -> memref<128x128xf32, #tpu.memory_space<hbm>>
    %dma_wait3A_106 = arith.constant 0 : i32
    %dma_wait3A_107 = tpu.memref_slice %arg5[%mul3A_103, %dma_wait3A_106] : memref<204800x128xf32, #tpu.memory_space<hbm>> -> memref<128x128xf32, #tpu.memory_space<hbm>>
    tpu.wait_dma2 semaphore(%arg16 : memref<!tpu.dma_semaphore, #tpu.memory_space<semaphore_mem>>) src(%arg8 : memref<128x128xf32, #tpu.memory_space<vmem>>) dst(%dma_wait3A_107 : memref<128x128xf32, #tpu.memory_space<hbm>>)
    %add3A_108 = arith.constant 49 : i32
    %add3A_109 = arith.addi %mul3A_2, %add3A_108 : i32
    %mul3A_110 = arith.constant 128 : i32
    %mul3A_111 = arith.muli %add3A_109, %mul3A_110 : i32
    %dma_wait3A_112 = arith.constant 0 : i32
    %dma_wait3A_113 = tpu.memref_slice %arg5[%mul3A_111, %dma_wait3A_112] : memref<204800x128xf32, #tpu.memory_space<hbm>> -> memref<128x128xf32, #tpu.memory_space<hbm>>
    %dma_wait3A_114 = arith.constant 0 : i32
    %dma_wait3A_115 = tpu.memref_slice %arg5[%mul3A_111, %dma_wait3A_114] : memref<204800x128xf32, #tpu.memory_space<hbm>> -> memref<128x128xf32, #tpu.memory_space<hbm>>
    tpu.wait_dma2 semaphore(%arg17 : memref<!tpu.dma_semaphore, #tpu.memory_space<semaphore_mem>>) src(%arg9 : memref<128x128xf32, #tpu.memory_space<vmem>>) dst(%dma_wait3A_115 : memref<128x128xf32, #tpu.memory_space<hbm>>)
    return
  }
}

</mosaic_0001>

<sc_bundles>
// kernel: kernel.3.cloned.1.call-start
scs
__scs_entry_jumppad:
0x0: {  	(pc) =	sbr.rel $0x88, $3  }
0x1: {  	(tag) =	ssettag $0x0;
	lr =	simm.s32 $0x1  }
0x2: {  	[smem:$0x3F9E] =	sst lr;
	_ =	strace $0xD0000000  }
0x3: {  	_ = 	snop  }
0x4: {  	_ = 	snop  }
0x5: {  	_ = 	snop  }
0x6: {  	_ = 	snop  }
0x7: {  	_ = 	snop  }
__scs_overlays_trampoline_lowered:
0x8: {  	[smem:$0x3FAD] =	sst s0  }
0x9: {  	[smem:$0x3FAE] =	sst s1  }
0xa: {  	[smem:$0x3FAF] =	sst s2  }
0xb: {  	[smem:$0x3FB0] =	sst s3  }
0xc: {  	[smem:$0x3FB1] =	sst s4  }
0xd: {  	[smem:$0x3FB2] =	sst s5  }
0xe: {  	[smem:$0x3FB3] =	sst s6  }
0xf: {  	[smem:$0x3FB4] =	sst s7  }
0x10: {  	[smem:$0x3FB5] =	sst s8  }
0x11: {  	[smem:$0x3FB6] =	sst s9;
	s0 =	simm.s32 @!p0 $0x0  }
0x12: {  	s1 =	sld [smem:$0x3F9C];
	s0 =	simm.s32 @p0 $0x1  }
0x13: {  	[smem:$0x3FB7] =	sst s0;
	s0 =	simm.s32 @!p1 $0x0  }
0x14: {  	s2 =	sld [smem:$0x3F9B];
	s0 =	simm.s32 @p1 $0x1  }
0x15: {  	[smem:$0x3FB8] =	sst s0;
	s0 =	simm.s32 @!p2 $0x0  }
0x16: {  	s3 =	sld [smem:$0x3FDB];
	s0 =	simm.s32 @p2 $0x1  }
0x17: {  	s4 =	simm.s32 $0x1BF5;
	[smem:$0x3FBA] =	sst s0  }
0x18: {  	s0 =	sld [smem:$0x3F9D];
	_ =	swait.ge [sflag:s4], $0x0  }
0x19: {  	s7 =	sld [smem:$0x3F9E]  }
0x1a: {  	s8 =	sadd.s32 $0xFFFFE003, lr  }
0x1b: {  	s9 =	sadd.s32 $0xFFFFFEF7, lr;
	s5 =	simm.s32 $0xFFFFFFFF;
	p2 =	slt.u32 s8, $0xFFFFF086  }
0x1c: {  	p1 =	slt.u32 s9, $0xF7A;
	s5 =	simm.s32 @!p2 $0x0  }
0x1d: {  	s5 =	simm.s32 @p1 $0x1;
	p0 =	seq.s32 s7, s2  }
0x1e: {  	s7 =	smul.u32 @!p0 $0xF7A, s2;
	p2 =	seq.s32 @!p0 s5, $0x0  }
0x1f: {  	s9 =	smul.u32 $0xF7A, s1;
	s8 =	simm.s32 @!p0 $0x1BF5;
	p2 =	por !p2, p0  }
0x20: {  	[sflag:s8] =	ssyncset.s32 @!p0 $0xFFFFF086;
	s6 =	sadd.s32 @!p0 s3, s7;
	s7 =	simm.s32 @!p0 $0x108  }
0x21: {  	s3 =	sadd.s32 s3, s9;
	s6 =	sadd.s32 @!p0 $0x88, s6;
	s7 =	simm.s32 @p2 $0x1082  }
0x22: {  	[simem:s7], [sflag:s8] =	dma.local @!p0 [hbm:s6], $0xF7A  }
0x23: {  	s9 =	sor.u32 $0xD0000000, s2;
	s6 =	simm.s32 $0x108;
	_ =	swait.ge @!p0 [sflag:s8], $0x0  }
0x24: {  	s3 =	sadd.s32 $0x88, s3;
	s6 =	simm.s32 @!p1 $0x1082;
	[sflag:s4] =	ssyncset.s32 $0xFFFFF086  }
0x25: {  	[simem:s6], [sflag:s4] =	dma.local [hbm:s3], $0xF7A  }
0x26: {  	[smem:$0x3F9E] =	sst s1;
	(tag) =	ssettag s2;
	_ =	strace s9  }
0x27: {  	s1 =	sld [smem:$0x3FAE]  }
0x28: {  	s2 =	sld [smem:$0x3FAF]  }
0x29: {  	s4 =	sld [smem:$0x3FB1]  }
0x2a: {  	p0 =	seq.s32 s5, $0x0;
	s5 =	sld [smem:$0x3FB2]  }
0x2b: {  	s6 =	sld [smem:$0x3FB3]  }
0x2c: {  	s7 =	sld [smem:$0x3FB4]  }
0x2d: {  	s3 =	simm.s32 $0x108;
	s8 =	sld [smem:$0x3FB5]  }
0x2e: {  	s3 =	simm.s32 @!p0 $0x1082;
	s9 =	sld [smem:$0x3FB6]  }
0x2f: {  	lr =	sadd.s32 s0, s3;
	s0 =	sld [smem:$0x3FAD]  }
0x30: {  	s3 =	sld [smem:$0x3FB0]  }
0x31: {  	[smem:$0x3FB9] =	sst s10  }
0x32: {  	s10 =	sld [smem:$0x3FB7];
	_ =	sdelay $0x3  }
0x33: {  	p0 =	seq.s32 s10, $0x1;
	s10 =	sld [smem:$0x3FB9];
	_ =	sdelay $0x3  }
0x34: {  	[smem:$0x3FB9] =	sst s10  }
0x35: {  	s10 =	sld [smem:$0x3FB8];
	_ =	sdelay $0x3  }
0x36: {  	p1 =	seq.s32 s10, $0x1;
	s10 =	sld [smem:$0x3FB9];
	_ =	sdelay $0x3  }
0x37: {  	[smem:$0x3FB9] =	sst s10  }
0x38: {  	s10 =	sld [smem:$0x3FBA]  }
0x39: {  	_ = 	snop;
	(pc) =	sbr.ind lr, $3  }
0x3a: {  	_ = 	snop  }
0x3b: {  	_ = 	snop  }
0x3c: {  	p2 =	seq.s32 s10, $0x1;
	s10 =	sld [smem:$0x3FB9]  }
0x3d: {  	_ =	shalt  }
0x3e: {  	_ =	shalt  }
0x3f: {  	_ =	shalt  }
0x40: {  	_ =	shalt  }
0x41: {  	_ =	shalt  }
0x42: {  	_ =	shalt  }
0x43: {  	_ =	shalt  }
0x44: {  	_ =	shalt  }
0x45: {  	_ =	shalt  }
0x46: {  	_ =	shalt  }
0x47: {  	_ =	shalt  }
0x48: {  	_ =	shalt  }
0x49: {  	_ =	shalt  }
0x4a: {  	_ =	shalt  }
0x4b: {  	_ =	shalt  }
0x4c: {  	_ =	shalt  }
0x4d: {  	_ =	shalt  }
0x4e: {  	_ =	shalt  }
0x4f: {  	_ =	shalt  }
0x50: {  	_ =	shalt  }
0x51: {  	_ =	shalt  }
0x52: {  	_ =	shalt  }
0x53: {  	_ =	shalt  }
0x54: {  	_ =	shalt  }
0x55: {  	_ =	shalt  }
0x56: {  	_ =	shalt  }
0x57: {  	_ =	shalt  }
0x58: {  	_ =	shalt  }
0x59: {  	_ =	shalt  }
0x5a: {  	_ =	shalt  }
0x5b: {  	_ =	shalt  }
0x5c: {  	_ =	shalt  }
0x5d: {  	_ =	shalt  }
0x5e: {  	_ =	shalt  }
0x5f: {  	_ =	shalt  }
0x60: {  	_ =	shalt  }
0x61: {  	_ =	shalt  }
0x62: {  	_ =	shalt  }
0x63: {  	_ =	shalt  }
0x64: {  	_ =	shalt  }
0x65: {  	_ =	shalt  }
0x66: {  	_ =	shalt  }
0x67: {  	_ =	shalt  }
0x68: {  	_ =	shalt  }
0x69: {  	_ =	shalt  }
0x6a: {  	_ =	shalt  }
0x6b: {  	_ =	shalt  }
0x6c: {  	_ =	shalt  }
0x6d: {  	_ =	shalt  }
0x6e: {  	_ =	shalt  }
0x6f: {  	_ =	shalt  }
0x70: {  	_ =	shalt  }
0x71: {  	_ =	shalt  }
0x72: {  	_ =	shalt  }
0x73: {  	_ =	shalt  }
0x74: {  	_ =	shalt  }
0x75: {  	_ =	shalt  }
0x76: {  	_ =	shalt  }
0x77: {  	_ =	shalt  }
0x78: {  	_ =	shalt  }
0x79: {  	_ =	shalt  }
0x7a: {  	_ =	shalt  }
0x7b: {  	_ =	shalt  }
0x7c: {  	_ =	shalt  }
0x7d: {  	_ =	shalt  }
0x7e: {  	_ =	shalt  }
0x7f: {  	_ =	shalt  }
0x80: {  	_ =	shalt  }
0x81: {  	_ =	shalt  }
0x82: {  	_ =	shalt  }
0x83: {  	_ =	shalt  }
0x84: {  	_ =	shalt  }
0x85: {  	_ =	shalt  }
0x86: {  	_ =	shalt  }
0x87: {  	_ =	shalt  }
.Lfunc_end0:
.L_simem_size_0:
called_computation_lowered:
.L_overlay_start_0:
0x88: {  	s2 =	sld [smem:$0x3FD9]  }
0x89: {  	s3 =	sld [smem:$0x3FFE];
	_ =	sdelay $0x1  }
0x8a: {  	s1 =	srdreg.scid  }
0x8b: {  	s0 =	sand.u32 $0x1, s1  }
0x8c: {  	s17 =	sshll.u32 s0, $0xA;
	s2 =	sadd.s32 s3, s2  }
0x8d: {  	s2 =	sadd.s32 s2, s17  }
0x8e: {  	[smem:$0x3FC5] =	sst s2  }
0x8f: {  	_ = 	snop  }
0x90: {  	s2 =	sld [smem:$0x3FC8]  }
0x91: {  	s18 =	sld [smem:$0x3FC7]  }
0x92: {  	s4 =	sld [smem:$0x3FD0];
	(tm) =	ssettm $0x1  }
0x93: {  	s5 =	sld [smem:$0x3FFB];
	_ =	sdelay $0x3  }
0x94: {  	_ =	strace s5  }
0x95: {  	s5 =	sld [smem:$0x3FFC];
	_ =	sdelay $0x3  }
0x96: {  	_ =	strace s5  }
0x97: {  	s5 =	sld [smem:$0x3FFD];
	_ =	sdelay $0x3  }
0x98: {  	_ =	strace s5  }
0x99: {  	_ =	strace $0x8FFFFFFF  }
0x9a: {  	s19 =	sld [smem:$0x3FDB];
	_ =	sdelay $0x1  }
0x9b: {  	s6 =	simm.s32 $_scs_section_size  }
0x9c: {  	s7 =	simm.s32 $_size__tile_overlayer_lowered;
	s8 =	simm.s32 $_tile_overlayer_lowered  }
0x9d: {  	s22 =	simm.s32 $0x1BFF;
	s21 =	sshll.u32 s8, $0x1;
	s5 =	sadd.s32 s6, s19  }
0x9e: {  	s9 =	simm.s32 $0x0;
	s20 =	sshll.u32 s7, $0x1;
	s7 =	sadd.s32 s21, s5  }
0x9f: {  	[timem:s9], [sflag:s22] =	dma.local [hbm:s7], s20  }
0xa0: {  	_ =	swait.ge [sflag:s22], s20  }
0xa1: {  	s6 =	ssub.s32 $0x0, s20;
	[sflag:s22] =	ssyncset.done $0x0  }
0xa2: {  	[sflag:s22] =	ssyncadd.s32 s6;
	_ =	sdelay $0x1  }
0xa3: {  	s23 =	simm.s32 $0x1B8B  }
0xa4: {  	_ =	swait.ge [sflag:s23], $0x1  }
0xa5: {  	[sflag:s23] =	ssyncset.done $0x0  }
0xa6: {  	s25 =	simm.s32 $0x1B8E;
	s24 =	sld [smem:$0x3FFE];
	[sflag:s23] =	ssyncadd.s32 $0xFFFFFFFF  }
0xa7: {  	s26 =	simm.s32 $execute0_lowered;
	[smem:$0x3FD2] =	sst s25  }
0xa8: {  	s7 =	sshll.u32 s26, $0x1;
	_ =	strace $0x80000046;
	[dreg:$0x1] =	wrdreg $0xFFFFFFFF  }
0xa9: {  	s28 =	simm.s32 $_size_execute0_lowered;
	s5 =	sadd.s32 s5, s7;
	[dreg:$0x0] =	wrdreg $0x0  }
0xaa: {  	s7 =	sshll.u32 s28, $0x1;
	[dreg:$0x2] =	wrdreg s5  }
0xab: {  	[dreg:$0x3] =	wrdreg s7  }
0xac: {  	[dreg:$0x4] =	wrdreg $0xC0  }
0xad: {  	_ =	task [dreg:s9], $0x5FFFF  }
0xae: {  	[dreg:$0x1] =	wrdreg $0xFFFFFFFF  }
0xaf: {  	[dreg:$0x0] =	wrdreg $0x60  }
0xb0: {  	[dreg:$0x2] =	wrdreg s24  }
0xb1: {  	[dreg:$0x3] =	wrdreg s2  }
0xb2: {  	[dreg:$0x4] =	wrdreg s18  }
0xb3: {  	[dreg:$0x5] =	wrdreg s4  }
0xb4: {  	[dreg:$0x6] =	wrdreg $0x9  }
0xb5: {  	_ =	task.clear_ibuf [dreg:s9], $0x7FFFF;
	_ =	strace $0x90000046  }
0xb6: {  	s29 =	simm.s32 $0x9;
	_ =	strace $0x80000048  }
0xb7: {  	_ =	swait.ge [sflag:s29], $0x1  }
0xb8: {  	[sflag:s29] =	ssyncadd.s32 $0xFFFFFFFF  }
0xb9: {  	_ =	strace $0x90000048  }
0xba: {  	_ =	sfence  }
0xbb: {  	s30 =	sld [smem:$0x0];
	_ =	sdelay $0x2  }
0xbc: {  	s31 =	sshll.u32 s1, $0xD;
	s1 =	sshrl.u32 s1, $0x2  }
0xbd: {  	s3 =	sand.u32 $0x4000, s31;
	s1 =	sadd.s32 s1, s30  }
0xbe: {  	s0 =	sor.u32 s3, s0;
	s1 =	sshll.u32 s1, $0x11  }
0xbf: {  	s0 =	sor.u32 s1, s0  }
0xc0: {  	s0 =	sadd.s32 $0x8F2B, s0  }
0xc1: {  	[sflag:s0] =	ssyncadd.remote.s32 $0x1  }
0xc2: {  	_ =	sfence.sel $0xFFFF  }
0xc3: {  	[dreg:$0x0] =	wrdreg $0xFFFFFFFF;
	(pc) =	sbr.abs _section_cstart, $3  }
0xc4: {  	[dreg:$0x1] =	wrdreg $0xFFFFFFFF  }
0xc5: {  	_ =	task.clear_ibuf [dreg:s9], $0x2FFFF;
	_ =	strace $0x9FFFFFFF  }
0xc6: {  	(tm) =	ssettm $0x7FFFFFFF  }
0xc7: {  	_ =	shalt  }
tec
execute0_lowered:
.L_overlay_start_1:
0x0: {  	(tag) =	ssettag $0x1  }
0x1: {  	s3 =	rddreg [dreg:$0x0]  }
0x2: {  	s0 =	srdreg.scid;
	s2 =	rddreg [dreg:$0x1]  }
0x3: {  	s11 =	stileid.u32;
	s5 =	rddreg [dreg:$0x3];
	s6 =	simm.s32 $0x0  }
0x4: {  	s16 =	simm.s32 $0x40;
	s17 =	simm.s32 $0xB900;
	s23 =	smul.u32 $0x640000, s11  }
0x5: {  	s21 =	simm.s32 $0xF900;
	s28 =	simm.s32 $0x13900;
	s10 =	smul.u32 $0x3200, s11  }
0x6: {  	s0 =	sand.u32 $0x1, s0;
	s1 =	sshll.u32 s11, $0x1;
	s11 =	smul.u32 $0x64, s11  }
0x7: {  	s29 =	simm.s32 $0x15900;
	s30 =	simm.s32 $0x3;
	s8 =	smul.u32 $0x320000, s0  }
0x8: {  	s31 =	simm.s32 $0x17900;
	s13 =	simm.s32 $0x4;
	s12 =	smul.u32 $0x32, s0  }
0x9: {  	s1 =	sor.u32 s0, s1;
	s9 =	ssub.s32 $0x2, s0;
	s0 =	smul.u32 $0x1900, s0  }
0xa: {  	s18 =	simm.s32 $0x6;
	[smem:$0x7FF] =	sst s6;
	s7 =	smul.u32 $0x320, s1  }
0xb: {  	_ =	strace $0x80000047;
	s4 =	smul.u32 $0x32, s1;
	s24 =	sshrl.u32 s9, $0x1  }
0xc: {  	s1 =	sadd.s32 s8, s23;
	s0 =	sadd.s32 s0, s10;
	s3 =	sadd.s32 s7, s3  }
0xd: {  	s7 =	ssub.s32 s9, s24;
	s9 =	sadd.s32 s12, s11;
	s1 =	sshrl.u32 s1, $0x2  }
.Ltmp0:
0xe: {  	[dreg:$0x8] =	wrdreg s0;
	s3 =	sadd.s32 $0x400, s3;
	(pc) =	sbr.rel .LBB2_1-.Ltmp0, $4  }
0xf: {  	s25 =	smax.u32 s7, $0x1;
	[dreg:$0x7] =	wrdreg s1;
	s26 =	sshll.u32 s9, $0x7  }
0x10: {  	s1 =	simm.s32 $0x19900;
	s7 =	simm.s32 $0x0;
	[dreg:$0x5] =	wrdreg s3  }
0x11: {  	[dreg:$0x6] =	wrdreg s25;
	s0 =	sor.u32 $0x80, s26;
	s25 =	simm.s32 $0x1  }
0x12: {  	s26 =	simm.s32 $0x2;
	[dreg:$0x9] =	wrdreg s0;
	s0 =	simm.s32 $0x5  }
.LBB2_19:
0x13: {  	_ =	swait.ge [sflag:s0], $0x4000  }
0x14: {  	[sflag:s0] =	ssyncset.done $0x0  }
0x15: {  	[sflag:s0] =	ssyncadd.s32 $0xFFFFC000  }
0x16: {  	_ =	swait.ge [sflag:s18], $0x4000  }
0x17: {  	s7 =	rddreg [dreg:$0xa]  }
0x18: {  	s3 =	rddreg [dreg:$0x6];
	s7 =	sadd.s32 $0x1, s7  }
0x19: {  	p0 =	sne.s32 s7, s3  }
.Ltmp1:
0x1a: {  	_ = 	snop;
	(pc) =	sbr.rel @!p0 .LBB2_20-.Ltmp1, $3  }
0x1b: {  	_ =	sdelay $0x1  }
0x1c: {  	[sflag:s18] =	ssyncset.done $0x0  }
0x1d: {  	[sflag:s18] =	ssyncadd.s32 $0xFFFFC000  }
.LBB2_1:
0x1e: {  	s3 =	rddreg [dreg:$0x2]  }
0x1f: {  	[tilespmem:s6], [sflag:$0x9] =	stream.linear.gather [hbm4b:s3+s6], $0x6400, $0x38;
	[tilespmem:$0x1B900] =	vst v63  }
0x20: {  	[dreg:$0xa] =	wrdreg s7;
	s10 =	simm.s32 $0x6400  }
0x21: {  	[tilespmem:s10], [sflag:$0x9] =	stream.linear.gather [hbm4b:s3+s6], $0x3C00, $0x38;
	[tilespmem:$0x1B900] =	vst v63  }
0x22: {  	s11 =	rddreg [dreg:$0x5];
	s12 =	simm.s32 $0xA000;
	s14 =	simm.s32 $0xA  }
0x23: {  	[tilespmem:s12], [sflag:$0xA] =	stream.linear.gather [hbm4b:s11+s6], $0x1900, $0x38;
	[tilespmem:$0x1B900] =	vst v63  }
0x24: {  	_ =	swait.ge [sflag:s14], $0x1900  }
0x25: {  	[sflag:s14] =	ssyncset.done $0x0  }
0x26: {  	[sflag:s14] =	ssyncadd.s32 $0xFFFFE700  }
0x27: {  	[tilespmem:s17], [sflag:$0x1] =	stream.indirect.gather [hbm4b:s2+s16], $0x80, s12, s16, $0xb8;
	[tilespmem:$0x1B900] =	vst v63  }
0x28: {  	s15 =	simm.s32 $0xA040;
	s19 =	simm.s32 $0xD900  }
0x29: {  	[tilespmem:s19], [sflag:$0x1] =	stream.indirect.gather [hbm4b:s2+s16], $0x80, s15, s16, $0xb8;
	[tilespmem:$0x1B900] =	vst v63  }
0x2a: {  	s20 =	simm.s32 $0xA080  }
0x2b: {  	[tilespmem:s21], [sflag:$0x2] =	stream.indirect.gather [hbm4b:s2+s16], $0x80, s20, s16, $0xb8;
	[tilespmem:$0x1B900] =	vst v63  }
0x2c: {  	s22 =	simm.s32 $0xA0C0;
	s23 =	simm.s32 $0x11900;
	s24 =	simm.s32 $0x9  }
0x2d: {  	[tilespmem:s23], [sflag:$0x2] =	stream.indirect.gather [hbm4b:s2+s16], $0x80, s22, s16, $0xb8;
	[tilespmem:$0x1B900] =	vst v63  }
0x2e: {  	_ =	swait.ge [sflag:s24], $0x6400  }
0x2f: {  	[sflag:s24] =	ssyncset.done $0x0  }
.Ltmp2:
0x30: {  	[sflag:s24] =	ssyncadd.s32 $0xFFFF9C00;
	(pc) =	sbr.rel .LBB2_2-.Ltmp2, $4  }
0x31: {  	_ =	swait.ge [sflag:s24], $0x3C00  }
0x32: {  	s12 =	rddreg [dreg:$0x9]  }
0x33: {  	[sflag:s24] =	ssyncset.done $0x0;
	s11 =	rddreg [dreg:$0x8]  }
0x34: {  	s3 =	simm.s32 $0x0;
	s10 =	rddreg [dreg:$0x7];
	[sflag:s24] =	ssyncadd.s32 $0xFFFFC400  }
.LBB2_18:
0x35: {  	s3 =	sadd.s32 $0x1, s3  }
0x36: {  	p0 =	sne.s32 s3, $0xD  }
.Ltmp3:
0x37: {  	_ = 	snop;
	(pc) =	sbr.rel @!p0 .LBB2_19-.Ltmp3, $2  }
0x38: {  	_ =	sdelay $0x2  }
0x39: {  	s10 =	sadd.s32 $0x10000, s10;
	s11 =	sadd.s32 $0x200, s11;
	s12 =	sadd.s32 $0x200, s12  }
.LBB2_2:
0x3a: {  	_ =	swait.ge [sflag:s25], $0x2000;
	s8 =	sshll.u32 s3, $0x2;
	p2 =	seq.s32 s3, $0x0  }
0x3b: {  	[sflag:s25] =	ssyncset.done $0x0;
	s14 =	sor.u32 @!p2 $0x2, s8  }
0x3c: {  	[sflag:s25] =	ssyncadd.s32 $0xFFFFE000;
	p0 =	sgt.u32 @!p2 s14, $0x31  }
0x3d: {  	_ =	swait.ge [sflag:s25], $0x2000;
	p1 =	por p2, !p0  }
.Ltmp4:
0x3e: {  	[sflag:s25] =	ssyncset.done $0x0;
	(pc) =	sbr.rel @!p1 .LBB2_4-.Ltmp4, $4  }
0x3f: {  	s7 =	simm.s32 @!p2 $0x7;
	[sflag:s25] =	ssyncadd.s32 $0xFFFFE000  }
0x40: {  	_ =	swait.ge @!p2 [sflag:s7], $0x4000  }
0x41: {  	[sflag:s7] =	ssyncset.done @!p2 $0x0  }
0x42: {  	p0 =	por @!p2 $0x0, $0x0;
	[sflag:s7] =	ssyncadd.s32 @!p2 $0xFFFFC000  }
0x43: {  	s14 =	simm.s32 @p2 $0x2  }
0x44: {  	s7 =	sshll.u32 s14, $0x7  }
0x45: {  	s7 =	sand.u32 $0x3FFFFF80, s7  }
0x46: {  	s15 =	sadd.s32 $0xA000, s7  }
0x47: {  	[tilespmem:s28], [sflag:$0x3] =	stream.indirect.gather [hbm4b:s2+s16], $0x80, s15, s16, $0xb8;
	[tilespmem:$0x1B900] =	vst v63  }
0x48: {  	p0 =	por $0x1, $0x1;
	s7 =	sadd.s32 $0xA040, s7  }
0x49: {  	[tilespmem:s29], [sflag:$0x3] =	stream.indirect.gather [hbm4b:s2+s16], $0x80, s7, s16, $0xb8;
	[tilespmem:$0x1B900] =	vst v63  }
.LBB2_4:
0x4a: {  	s7 =	smulhi.u32 $0x51EB851F, s11;
	_ =	sdelay $0x1  }
0x4b: {  	s7 =	sshrl.u32 s7, $0x6  }
0x4c: {  	s7 =	smul.u32 $0xFFFE7000, s7;
	_ =	sdelay $0x1  }
0x4d: {  	s7 =	sshra.s32 s7, $0x2  }
0x4e: {  	s7 =	sadd.s32 s7, s10  }
0x4f: {  	v0 =	vmov s7;
	_ =	sdelay $0x3  }
0x50: {  	s7 =	simm.s32 $0x0  }
0x51: {  	v1 =	vld.idx.msk [tilespmem:v0+s7+$0x80 ss:$0x1], $0xffff;
	_ =	sdelay $0x1  }
0x52: {  	v2 =	vld.idx.msk [tilespmem:v0+s7+$0x0 ss:$0x1], $0xffff;
	_ =	sdelay $0x2  }
0x53: {  	[tilespmem:s7+$0xB980] =	vst.add.f32.msk $0xffff, v1  }
0x54: {  	v1 =	vld.idx.msk [tilespmem:v0+s7+$0x90 ss:$0x1], $0xffff  }
0x55: {  	[tilespmem:s7+$0xB900] =	vst.add.f32.msk $0xffff, v2  }
0x56: {  	s23 =	simm.s32 $0x100;
	v2 =	vld.idx.msk [tilespmem:v0+s7+$0x10 ss:$0x1], $0xffff  }
0x57: {  	v3 =	vld.idx.msk [tilespmem:v0+s23+$0x80 ss:$0x1], $0xffff  }
0x58: {  	v4 =	vld.idx.msk [tilespmem:v0+s23+$0x0 ss:$0x1], $0xffff  }
0x59: {  	[tilespmem:s7+$0xB990] =	vst.add.f32.msk $0xffff, v1  }
0x5a: {  	v1 =	vld.idx.msk [tilespmem:v0+s7+$0xA0 ss:$0x1], $0xffff  }
0x5b: {  	[tilespmem:s7+$0xB910] =	vst.add.f32.msk $0xffff, v2  }
0x5c: {  	v2 =	vld.idx.msk [tilespmem:v0+s7+$0x20 ss:$0x1], $0xffff  }
0x5d: {  	[tilespmem:s23+$0xB980] =	vst.add.f32.msk $0xffff, v3  }
0x5e: {  	[tilespmem:s23+$0xB900] =	vst.add.f32.msk $0xffff, v4  }
0x5f: {  	[tilespmem:s7+$0xB9A0] =	vst.add.f32.msk $0xffff, v1  }
0x60: {  	v1 =	vld.idx.msk [tilespmem:v0+s7+$0xB0 ss:$0x1], $0xffff  }
0x61: {  	[tilespmem:s7+$0xB920] =	vst.add.f32.msk $0xffff, v2  }
0x62: {  	v2 =	vld.idx.msk [tilespmem:v0+s7+$0x30 ss:$0x1], $0xffff  }
0x63: {  	v3 =	vld.idx.msk [tilespmem:v0+s23+$0x90 ss:$0x1], $0xffff  }
0x64: {  	v4 =	vld.idx.msk [tilespmem:v0+s23+$0x10 ss:$0x1], $0xffff  }
0x65: {  	[tilespmem:s7+$0xB9B0] =	vst.add.f32.msk $0xffff, v1  }
0x66: {  	v1 =	vld.idx.msk [tilespmem:v0+s7+$0xC0 ss:$0x1], $0xffff  }
0x67: {  	[tilespmem:s7+$0xB930] =	vst.add.f32.msk $0xffff, v2  }
0x68: {  	v2 =	vld.idx.msk [tilespmem:v0+s7+$0x40 ss:$0x1], $0xffff  }
0x69: {  	[tilespmem:s23+$0xB990] =	vst.add.f32.msk $0xffff, v3  }
0x6a: {  	[tilespmem:s23+$0xB910] =	vst.add.f32.msk $0xffff, v4  }
0x6b: {  	[tilespmem:s7+$0xB9C0] =	vst.add.f32.msk $0xffff, v1  }
0x6c: {  	v1 =	vld.idx.msk [tilespmem:v0+s7+$0xD0 ss:$0x1], $0xffff  }
0x6d: {  	[tilespmem:s7+$0xB940] =	vst.add.f32.msk $0xffff, v2  }
0x6e: {  	v2 =	vld.idx.msk [tilespmem:v0+s23+$0xA0 ss:$0x1], $0xffff  }
0x6f: {  	v4 =	vld.idx.msk [tilespmem:v0+s23+$0x20 ss:$0x1], $0xffff  }
0x70: {  	v3 =	vld.idx.msk [tilespmem:v0+s7+$0x50 ss:$0x1], $0xffff  }
0x71: {  	[tilespmem:s7+$0xB9D0] =	vst.add.f32.msk $0xffff, v1  }
0x72: {  	v1 =	vld.idx.msk [tilespmem:v0+s7+$0xE0 ss:$0x1], $0xffff  }
0x73: {  	[tilespmem:s23+$0xB9A0] =	vst.add.f32.msk $0xffff, v2  }
0x74: {  	v2 =	vld.idx.msk [tilespmem:v0+s23+$0xB0 ss:$0x1], $0xffff  }
0x75: {  	[tilespmem:s7+$0xB950] =	vst.add.f32.msk $0xffff, v3  }
0x76: {  	v3 =	vld.idx.msk [tilespmem:v0+s7+$0x60 ss:$0x1], $0xffff  }
0x77: {  	[tilespmem:s7+$0xB9E0] =	vst.add.f32.msk $0xffff, v1  }
0x78: {  	s15 =	smulhi.u32 $0x51EB851F, s12;
	v1 =	vld.idx.msk [tilespmem:v0+s7+$0xF0 ss:$0x1], $0xffff  }
0x79: {  	[tilespmem:s23+$0xB920] =	vst.add.f32.msk $0xffff, v4  }
0x7a: {  	s15 =	sshrl.u32 s15, $0x6;
	[tilespmem:s23+$0xB9B0] =	vst.add.f32.msk $0xffff, v2  }
0x7b: {  	s15 =	smul.u32 $0xFFFE7000, s15;
	v2 =	vld.idx.msk [tilespmem:v0+s23+$0xC0 ss:$0x1], $0xffff  }
0x7c: {  	[tilespmem:s7+$0xB960] =	vst.add.f32.msk $0xffff, v3  }
0x7d: {  	s20 =	sadd.s32 s4, s8;
	s15 =	sshra.s32 s15, $0x2;
	[tilespmem:s7+$0xB9F0] =	vst.add.f32.msk $0xffff, v1  }
0x7e: {  	s24 =	simm.s32 $0x800;
	s22 =	sadd.s32 s15, s10;
	s15 =	simm.s32 $0x2;
	v1 =	vld.idx.msk [tilespmem:v0+s23+$0x30 ss:$0x1], $0xffff  }
.LBB2_5:
0x7f: {  	s19 =	sshra.s32 s24, $0x2;
	s15 =	sadd.s32 $0x2, s15;
	v3 =	vld.idx.msk [tilespmem:v0+s7+$0x70 ss:$0x1], $0xffff  }
0x80: {  	v4 =	vld.idx.msk [tilespmem:v0+s19+$0x80 ss:$0x1], $0xffff;
	p1 =	slt.u32 s15, $0x7E  }
0x81: {  	v5 =	vld.idx.msk [tilespmem:v0+s19+$0x0 ss:$0x1], $0xffff  }
0x82: {  	[tilespmem:s23+$0xB9C0] =	vst.add.f32.msk $0xffff, v2  }
0x83: {  	v2 =	vld.idx.msk [tilespmem:v0+s23+$0xD0 ss:$0x1], $0xffff  }
0x84: {  	[tilespmem:s23+$0xB930] =	vst.add.f32.msk $0xffff, v1  }
0x85: {  	v1 =	vld.idx.msk [tilespmem:v0+s23+$0x40 ss:$0x1], $0xffff  }
0x86: {  	[tilespmem:s19+$0xB980] =	vst.add.f32.msk $0xffff, v4  }
0x87: {  	v4 =	vld.idx.msk [tilespmem:v0+s19+$0x90 ss:$0x1], $0xffff  }
0x88: {  	[tilespmem:s19+$0xB900] =	vst.add.f32.msk $0xffff, v5  }
0x89: {  	[tilespmem:s23+$0xB9D0] =	vst.add.f32.msk $0xffff, v2  }
0x8a: {  	v2 =	vld.idx.msk [tilespmem:v0+s23+$0xE0 ss:$0x1], $0xffff  }
0x8b: {  	v5 =	vld.idx.msk [tilespmem:v0+s19+$0x10 ss:$0x1], $0xffff  }
0x8c: {  	[tilespmem:s23+$0xB940] =	vst.add.f32.msk $0xffff, v1  }
0x8d: {  	[tilespmem:s19+$0xB990] =	vst.add.f32.msk $0xffff, v4  }
0x8e: {  	v1 =	vld.idx.msk [tilespmem:v0+s19+$0xA0 ss:$0x1], $0xffff  }
0x8f: {  	v4 =	vld.idx.msk [tilespmem:v0+s23+$0x50 ss:$0x1], $0xffff  }
0x90: {  	[tilespmem:s23+$0xB9E0] =	vst.add.f32.msk $0xffff, v2  }
0x91: {  	v2 =	vld.idx.msk [tilespmem:v0+s23+$0xF0 ss:$0x1], $0xffff  }
0x92: {  	[tilespmem:s19+$0xB910] =	vst.add.f32.msk $0xffff, v5  }
0x93: {  	v5 =	vld.idx.msk [tilespmem:v0+s19+$0x20 ss:$0x1], $0xffff  }
0x94: {  	[tilespmem:s19+$0xB9A0] =	vst.add.f32.msk $0xffff, v1  }
0x95: {  	v6 =	vld.idx.msk [tilespmem:v0+s19+$0xB0 ss:$0x1], $0xffff  }
0x96: {  	[tilespmem:s23+$0xB950] =	vst.add.f32.msk $0xffff, v4  }
0x97: {  	[tilespmem:s23+$0xB9F0] =	vst.add.f32.msk $0xffff, v2  }
0x98: {  	v4 =	vld.idx.msk [tilespmem:v0+s23+$0x60 ss:$0x1], $0xffff  }
0x99: {  	[tilespmem:s19+$0xB920] =	vst.add.f32.msk $0xffff, v5  }
.Ltmp5:
0x9a: {  	v1 =	vld.idx.msk [tilespmem:v0+s19+$0x30 ss:$0x1], $0xffff;
	(pc) =	sbr.rel @p1 .LBB2_5-.Ltmp5, $4  }
0x9b: {  	[tilespmem:s19+$0xB9B0] =	vst.add.f32.msk $0xffff, v6  }
0x9c: {  	v2 =	vld.idx.msk [tilespmem:v0+s19+$0xC0 ss:$0x1], $0xffff  }
0x9d: {  	[tilespmem:s7+$0xB970] =	vst.add.f32.msk $0xffff, v3;
	s7 =	smov.u32 s23;
	s23 =	smov.u32 s19  }
0x9e: {  	s24 =	sadd.s32 $0x400, s24;
	[tilespmem:s7+$0xB960] =	vst.add.f32.msk $0xffff, v4  }
0x9f: {  	_ =	sdelay $0x2  }
0xa0: {  	[tilespmem:s23+$0xB930] =	vst.add.f32.msk $0xffff, v1  }
0xa1: {  	v1 =	vld.idx.msk [tilespmem:v0+s23+$0x40 ss:$0x1], $0xffff;
	_ =	sdelay $0x2  }
0xa2: {  	[tilespmem:s23+$0xB9C0] =	vst.add.f32.msk $0xffff, v2  }
0xa3: {  	v2 =	vld.idx.msk [tilespmem:v0+s23+$0xD0 ss:$0x1], $0xffff  }
0xa4: {  	[tilespmem:s23+$0xB940] =	vst.add.f32.msk $0xffff, v1  }
0xa5: {  	v1 =	vld.idx.msk [tilespmem:v0+s23+$0x50 ss:$0x1], $0xffff;
	_ =	sdelay $0x2  }
0xa6: {  	[tilespmem:s23+$0xB9D0] =	vst.add.f32.msk $0xffff, v2  }
0xa7: {  	v2 =	vld.idx.msk [tilespmem:v0+s23+$0xE0 ss:$0x1], $0xffff  }
0xa8: {  	[tilespmem:s23+$0xB950] =	vst.add.f32.msk $0xffff, v1  }
0xa9: {  	v1 =	vld.idx.msk [tilespmem:v0+s23+$0x60 ss:$0x1], $0xffff;
	_ =	sdelay $0x1  }
0xaa: {  	v3 =	vld.idx.msk [tilespmem:v0+s7+$0x70 ss:$0x1], $0xffff  }
0xab: {  	[tilespmem:s23+$0xB9E0] =	vst.add.f32.msk $0xffff, v2  }
0xac: {  	v2 =	vld.idx.msk [tilespmem:v0+s23+$0xF0 ss:$0x1], $0xffff  }
0xad: {  	[tilespmem:s23+$0xB960] =	vst.add.f32.msk $0xffff, v1  }
0xae: {  	v63 =	vld.idx.msk [tilespmem:v0+s23+$0x70 ss:$0x1], $0xffff;
	_ =	sdelay $0x2  }
0xaf: {  	[tilespmem:s7+$0xB970] =	vst.add.f32.msk $0xffff, v3  }
0xb0: {  	s24 =	sshll.u32 s20, $0xB;
	[tilespmem:s23+$0xB9F0] =	vst.add.f32.msk $0xffff, v2  }
0xb1: {  	s7 =	sadd.s32 s5, s24;
	[tilespmem:s23+$0xB970] =	vst.add.f32.msk $0xffff, v63  }
0xb2: {  	[hbm4b:s7+s6] =	stream.linear.scatter [tilespmem:s17], [sflag:$0x5], $0x4000, $0x38;
	[tilespmem:$0x1B900] =	vst v63  }
0xb3: {  	_ =	swait.ge [sflag:s26], $0x2000  }
0xb4: {  	s7 =	sor.u32 @!p2 $0x3, s8;
	[sflag:s26] =	ssyncset.done $0x0  }
0xb5: {  	p1 =	sgt.u32 @!p2 s7, $0x31;
	[sflag:s26] =	ssyncadd.s32 $0xFFFFE000  }
0xb6: {  	p3 =	por p2, !p1;
	_ =	swait.ge [sflag:s26], $0x2000  }
.Ltmp6:
0xb7: {  	[sflag:s26] =	ssyncset.done $0x0;
	(pc) =	sbr.rel @!p3 .LBB2_8-.Ltmp6, $4  }
0xb8: {  	s15 =	simm.s32 @!p2 $0x8;
	[sflag:s26] =	ssyncadd.s32 $0xFFFFE000  }
0xb9: {  	_ =	swait.ge @!p2 [sflag:s15], $0x4000  }
0xba: {  	[sflag:s15] =	ssyncset.done @!p2 $0x0  }
0xbb: {  	p1 =	por @!p2 $0x0, $0x0;
	[sflag:s15] =	ssyncadd.s32 @!p2 $0xFFFFC000  }
0xbc: {  	s7 =	simm.s32 @p2 $0x3  }
0xbd: {  	s15 =	sshll.u32 s7, $0x7  }
0xbe: {  	s15 =	sand.u32 $0x3FFFFF80, s15  }
0xbf: {  	s19 =	sadd.s32 $0xA000, s15  }
0xc0: {  	[tilespmem:s31], [sflag:$0x4] =	stream.indirect.gather [hbm4b:s2+s16], $0x80, s19, s16, $0xb8;
	[tilespmem:$0x1B900] =	vst v63  }
0xc1: {  	p1 =	por $0x1, $0x1;
	s15 =	sadd.s32 $0xA040, s15  }
0xc2: {  	[tilespmem:s1], [sflag:$0x4] =	stream.indirect.gather [hbm4b:s2+s16], $0x80, s15, s16, $0xb8;
	[tilespmem:$0x1B900] =	vst v63  }
.LBB2_8:
0xc3: {  	v0 =	vmov s22;
	_ =	sdelay $0x3  }
0xc4: {  	s23 =	simm.s32 $0x0  }
0xc5: {  	v1 =	vld.idx.msk [tilespmem:v0+s23+$0x4080 ss:$0x1], $0xffff;
	_ =	sdelay $0x1  }
0xc6: {  	v2 =	vld.idx.msk [tilespmem:v0+s23+$0x4000 ss:$0x1], $0xffff;
	_ =	sdelay $0x2  }
0xc7: {  	[tilespmem:s23+$0xF980] =	vst.add.f32.msk $0xffff, v1  }
0xc8: {  	v1 =	vld.idx.msk [tilespmem:v0+s23+$0x4090 ss:$0x1], $0xffff  }
0xc9: {  	[tilespmem:s23+$0xF900] =	vst.add.f32.msk $0xffff, v2  }
0xca: {  	s22 =	simm.s32 $0x100;
	v2 =	vld.idx.msk [tilespmem:v0+s23+$0x4010 ss:$0x1], $0xffff  }
0xcb: {  	v3 =	vld.idx.msk [tilespmem:v0+s22+$0x4080 ss:$0x1], $0xffff  }
0xcc: {  	v4 =	vld.idx.msk [tilespmem:v0+s22+$0x4000 ss:$0x1], $0xffff  }
0xcd: {  	[tilespmem:s23+$0xF990] =	vst.add.f32.msk $0xffff, v1  }
0xce: {  	v1 =	vld.idx.msk [tilespmem:v0+s23+$0x40A0 ss:$0x1], $0xffff  }
0xcf: {  	[tilespmem:s23+$0xF910] =	vst.add.f32.msk $0xffff, v2  }
0xd0: {  	v2 =	vld.idx.msk [tilespmem:v0+s23+$0x4020 ss:$0x1], $0xffff  }
0xd1: {  	[tilespmem:s22+$0xF980] =	vst.add.f32.msk $0xffff, v3  }
0xd2: {  	[tilespmem:s22+$0xF900] =	vst.add.f32.msk $0xffff, v4  }
0xd3: {  	[tilespmem:s23+$0xF9A0] =	vst.add.f32.msk $0xffff, v1  }
0xd4: {  	v1 =	vld.idx.msk [tilespmem:v0+s23+$0x40B0 ss:$0x1], $0xffff  }
0xd5: {  	[tilespmem:s23+$0xF920] =	vst.add.f32.msk $0xffff, v2  }
0xd6: {  	v2 =	vld.idx.msk [tilespmem:v0+s23+$0x4030 ss:$0x1], $0xffff  }
0xd7: {  	v3 =	vld.idx.msk [tilespmem:v0+s22+$0x4090 ss:$0x1], $0xffff  }
0xd8: {  	v4 =	vld.idx.msk [tilespmem:v0+s22+$0x4010 ss:$0x1], $0xffff  }
0xd9: {  	[tilespmem:s23+$0xF9B0] =	vst.add.f32.msk $0xffff, v1  }
0xda: {  	v1 =	vld.idx.msk [tilespmem:v0+s23+$0x40C0 ss:$0x1], $0xffff  }
0xdb: {  	[tilespmem:s23+$0xF930] =	vst.add.f32.msk $0xffff, v2  }
0xdc: {  	v2 =	vld.idx.msk [tilespmem:v0+s23+$0x4040 ss:$0x1], $0xffff  }
0xdd: {  	[tilespmem:s22+$0xF990] =	vst.add.f32.msk $0xffff, v3  }
0xde: {  	[tilespmem:s22+$0xF910] =	vst.add.f32.msk $0xffff, v4  }
0xdf: {  	[tilespmem:s23+$0xF9C0] =	vst.add.f32.msk $0xffff, v1  }
0xe0: {  	v1 =	vld.idx.msk [tilespmem:v0+s23+$0x40D0 ss:$0x1], $0xffff  }
0xe1: {  	[tilespmem:s23+$0xF940] =	vst.add.f32.msk $0xffff, v2  }
0xe2: {  	v2 =	vld.idx.msk [tilespmem:v0+s22+$0x40A0 ss:$0x1], $0xffff  }
0xe3: {  	v4 =	vld.idx.msk [tilespmem:v0+s22+$0x4020 ss:$0x1], $0xffff  }
0xe4: {  	v3 =	vld.idx.msk [tilespmem:v0+s23+$0x4050 ss:$0x1], $0xffff  }
0xe5: {  	[tilespmem:s23+$0xF9D0] =	vst.add.f32.msk $0xffff, v1  }
0xe6: {  	v1 =	vld.idx.msk [tilespmem:v0+s23+$0x40E0 ss:$0x1], $0xffff  }
0xe7: {  	[tilespmem:s22+$0xF9A0] =	vst.add.f32.msk $0xffff, v2  }
0xe8: {  	v2 =	vld.idx.msk [tilespmem:v0+s22+$0x40B0 ss:$0x1], $0xffff  }
0xe9: {  	[tilespmem:s23+$0xF950] =	vst.add.f32.msk $0xffff, v3  }
0xea: {  	v3 =	vld.idx.msk [tilespmem:v0+s23+$0x4060 ss:$0x1], $0xffff  }
0xeb: {  	[tilespmem:s23+$0xF9E0] =	vst.add.f32.msk $0xffff, v1  }
0xec: {  	v1 =	vld.idx.msk [tilespmem:v0+s23+$0x40F0 ss:$0x1], $0xffff  }
0xed: {  	[tilespmem:s22+$0xF920] =	vst.add.f32.msk $0xffff, v4  }
0xee: {  	[tilespmem:s22+$0xF9B0] =	vst.add.f32.msk $0xffff, v2  }
0xef: {  	v2 =	vld.idx.msk [tilespmem:v0+s22+$0x40C0 ss:$0x1], $0xffff  }
0xf0: {  	[tilespmem:s23+$0xF960] =	vst.add.f32.msk $0xffff, v3  }
0xf1: {  	s8 =	sadd.s32 s8, s4;
	[tilespmem:s23+$0xF9F0] =	vst.add.f32.msk $0xffff, v1  }
0xf2: {  	s15 =	simm.s32 $0x2;
	s20 =	simm.s32 $0x800;
	s8 =	sadd.s32 $0x1, s8;
	v1 =	vld.idx.msk [tilespmem:v0+s22+$0x4030 ss:$0x1], $0xffff  }
.LBB2_9:
0xf3: {  	s19 =	sshra.s32 s20, $0x2;
	s15 =	sadd.s32 $0x2, s15;
	v3 =	vld.idx.msk [tilespmem:v0+s23+$0x4070 ss:$0x1], $0xffff  }
0xf4: {  	v4 =	vld.idx.msk [tilespmem:v0+s19+$0x4080 ss:$0x1], $0xffff;
	p2 =	slt.u32 s15, $0x7E  }
0xf5: {  	v5 =	vld.idx.msk [tilespmem:v0+s19+$0x4000 ss:$0x1], $0xffff  }
0xf6: {  	[tilespmem:s22+$0xF9C0] =	vst.add.f32.msk $0xffff, v2  }
0xf7: {  	v2 =	vld.idx.msk [tilespmem:v0+s22+$0x40D0 ss:$0x1], $0xffff  }
0xf8: {  	[tilespmem:s22+$0xF930] =	vst.add.f32.msk $0xffff, v1  }
0xf9: {  	v1 =	vld.idx.msk [tilespmem:v0+s22+$0x4040 ss:$0x1], $0xffff  }
0xfa: {  	[tilespmem:s19+$0xF980] =	vst.add.f32.msk $0xffff, v4  }
0xfb: {  	v4 =	vld.idx.msk [tilespmem:v0+s19+$0x4090 ss:$0x1], $0xffff  }
0xfc: {  	[tilespmem:s19+$0xF900] =	vst.add.f32.msk $0xffff, v5  }
0xfd: {  	[tilespmem:s22+$0xF9D0] =	vst.add.f32.msk $0xffff, v2  }
0xfe: {  	v2 =	vld.idx.msk [tilespmem:v0+s22+$0x40E0 ss:$0x1], $0xffff  }
0xff: {  	v5 =	vld.idx.msk [tilespmem:v0+s19+$0x4010 ss:$0x1], $0xffff  }
0x100: {  	[tilespmem:s22+$0xF940] =	vst.add.f32.msk $0xffff, v1  }
0x101: {  	[tilespmem:s19+$0xF990] =	vst.add.f32.msk $0xffff, v4  }
0x102: {  	v1 =	vld.idx.msk [tilespmem:v0+s19+$0x40A0 ss:$0x1], $0xffff  }
0x103: {  	v4 =	vld.idx.msk [tilespmem:v0+s22+$0x4050 ss:$0x1], $0xffff  }
0x104: {  	[tilespmem:s22+$0xF9E0] =	vst.add.f32.msk $0xffff, v2  }
0x105: {  	v2 =	vld.idx.msk [tilespmem:v0+s22+$0x40F0 ss:$0x1], $0xffff  }
0x106: {  	[tilespmem:s19+$0xF910] =	vst.add.f32.msk $0xffff, v5  }
0x107: {  	v5 =	vld.idx.msk [tilespmem:v0+s19+$0x4020 ss:$0x1], $0xffff  }
0x108: {  	[tilespmem:s19+$0xF9A0] =	vst.add.f32.msk $0xffff, v1  }
0x109: {  	v6 =	vld.idx.msk [tilespmem:v0+s19+$0x40B0 ss:$0x1], $0xffff  }
0x10a: {  	[tilespmem:s22+$0xF950] =	vst.add.f32.msk $0xffff, v4  }
0x10b: {  	[tilespmem:s22+$0xF9F0] =	vst.add.f32.msk $0xffff, v2  }
0x10c: {  	v4 =	vld.idx.msk [tilespmem:v0+s22+$0x4060 ss:$0x1], $0xffff  }
0x10d: {  	[tilespmem:s19+$0xF920] =	vst.add.f32.msk $0xffff, v5  }
.Ltmp7:
0x10e: {  	v1 =	vld.idx.msk [tilespmem:v0+s19+$0x4030 ss:$0x1], $0xffff;
	(pc) =	sbr.rel @p2 .LBB2_9-.Ltmp7, $4  }
0x10f: {  	[tilespmem:s19+$0xF9B0] =	vst.add.f32.msk $0xffff, v6  }
0x110: {  	v2 =	vld.idx.msk [tilespmem:v0+s19+$0x40C0 ss:$0x1], $0xffff  }
0x111: {  	[tilespmem:s23+$0xF970] =	vst.add.f32.msk $0xffff, v3;
	s23 =	smov.u32 s22;
	s22 =	smov.u32 s19  }
0x112: {  	s20 =	sadd.s32 $0x400, s20;
	[tilespmem:s23+$0xF960] =	vst.add.f32.msk $0xffff, v4  }
0x113: {  	_ =	sdelay $0x2  }
0x114: {  	[tilespmem:s22+$0xF930] =	vst.add.f32.msk $0xffff, v1  }
0x115: {  	v1 =	vld.idx.msk [tilespmem:v0+s22+$0x4040 ss:$0x1], $0xffff;
	_ =	sdelay $0x2  }
0x116: {  	[tilespmem:s22+$0xF9C0] =	vst.add.f32.msk $0xffff, v2  }
0x117: {  	v2 =	vld.idx.msk [tilespmem:v0+s22+$0x40D0 ss:$0x1], $0xffff  }
0x118: {  	[tilespmem:s22+$0xF940] =	vst.add.f32.msk $0xffff, v1  }
0x119: {  	v1 =	vld.idx.msk [tilespmem:v0+s22+$0x4050 ss:$0x1], $0xffff;
	_ =	sdelay $0x2  }
0x11a: {  	[tilespmem:s22+$0xF9D0] =	vst.add.f32.msk $0xffff, v2  }
0x11b: {  	v2 =	vld.idx.msk [tilespmem:v0+s22+$0x40E0 ss:$0x1], $0xffff  }
0x11c: {  	[tilespmem:s22+$0xF950] =	vst.add.f32.msk $0xffff, v1  }
0x11d: {  	v1 =	vld.idx.msk [tilespmem:v0+s22+$0x4060 ss:$0x1], $0xffff;
	_ =	sdelay $0x1  }
0x11e: {  	v3 =	vld.idx.msk [tilespmem:v0+s23+$0x4070 ss:$0x1], $0xffff  }
0x11f: {  	[tilespmem:s22+$0xF9E0] =	vst.add.f32.msk $0xffff, v2  }
0x120: {  	v2 =	vld.idx.msk [tilespmem:v0+s22+$0x40F0 ss:$0x1], $0xffff  }
0x121: {  	[tilespmem:s22+$0xF960] =	vst.add.f32.msk $0xffff, v1  }
0x122: {  	v63 =	vld.idx.msk [tilespmem:v0+s22+$0x4070 ss:$0x1], $0xffff;
	_ =	sdelay $0x1  }
.Ltmp8:
0x123: {  	_ = 	snop;
	(pc) =	sbr.rel @!p0 .LBB2_14-.Ltmp8, $4  }
0x124: {  	s8 =	sshll.u32 s8, $0xB;
	[tilespmem:s23+$0xF970] =	vst.add.f32.msk $0xffff, v3  }
0x125: {  	s8 =	sand.u32 $0x1FFFF800, s8;
	[tilespmem:s22+$0xF9F0] =	vst.add.f32.msk $0xffff, v2  }
0x126: {  	s8 =	sadd.s32 s5, s8;
	[tilespmem:s22+$0xF970] =	vst.add.f32.msk $0xffff, v63  }
0x127: {  	[hbm4b:s8+s6] =	stream.linear.scatter [tilespmem:s21], [sflag:$0x6], $0x4000, $0x38;
	[tilespmem:$0x1B900] =	vst v63  }
0x128: {  	s8 =	sadd.s32 s14, s9  }
0x129: {  	s15 =	sshll.u32 s8, $0x7  }
0x12a: {  	_ =	swait.ge [sflag:s30], $0x2000;
	s15 =	smulhi.u32 $0x51EB851F, s15  }
0x12b: {  	[sflag:s30] =	ssyncset.done $0x0  }
0x12c: {  	[sflag:s30] =	ssyncadd.s32 $0xFFFFE000;
	s15 =	sshrl.u32 s15, $0x6  }
0x12d: {  	_ =	swait.ge [sflag:s30], $0x2000;
	s15 =	smul.u32 $0x19000, s15  }
0x12e: {  	p0 =	seq.s32 s3, $0xC;
	s8 =	sshll.u32 s8, $0x10;
	[sflag:s30] =	ssyncset.done $0x0  }
0x12f: {  	s20 =	simm.s32 @!p0 $0x40;
	[sflag:s30] =	ssyncadd.s32 $0xFFFFE000;
	s8 =	ssub.s32 s8, s15  }
0x130: {  	_ =	swait.ge [sflag:s0], $0x4000;
	s15 =	sshll.u32 @!p0 s3, $0x9;
	s8 =	sshra.s32 s8, $0x2  }
0x131: {  	[sflag:s0] =	ssyncset.done $0x0;
	s15 =	sand.u32 @!p0 $0x3FFFFE00, s15;
	s8 =	sor.u32 $0x40, s8  }
0x132: {  	s22 =	simm.s32 @!p0 $0xB900;
	[sflag:s0] =	ssyncadd.s32 $0xFFFFC000;
	s19 =	sadd.s32 @!p0 $0xA200, s15;
	v0 =	vmov s8  }
0x133: {  	[tilespmem:s22], [sflag:$0x1] =	stream.indirect.gather @!p0 [hbm4b:s2+s20], $0x80, s19, s20, $0xb8;
	[tilespmem:$0x1B900] =	vst v63  }
0x134: {  	s8 =	sadd.s32 @!p0 $0xA240, s15;
	s15 =	simm.s32 @!p0 $0xD900  }
0x135: {  	[tilespmem:s15], [sflag:$0x1] =	stream.indirect.gather @!p0 [hbm4b:s2+s20], $0x80, s8, s20, $0xb8;
	[tilespmem:$0x1B900] =	vst v63  }
0x136: {  	s8 =	simm.s32 $0x0  }
0x137: {  	v1 =	vld.idx.msk [tilespmem:v0+s8+$0x40 ss:$0x1], $0xffff;
	_ =	sdelay $0x1  }
0x138: {  	v2 =	vld.idx.msk [tilespmem:v0+s8+$0xFFFFFFC0 ss:$0x1], $0xffff;
	_ =	sdelay $0x2  }
0x139: {  	[tilespmem:s8+$0x13980] =	vst.add.f32.msk $0xffff, v1  }
0x13a: {  	v1 =	vld.idx.msk [tilespmem:v0+s8+$0x50 ss:$0x1], $0xffff  }
0x13b: {  	[tilespmem:s8+$0x13900] =	vst.add.f32.msk $0xffff, v2  }
0x13c: {  	s22 =	simm.s32 $0x100;
	v2 =	vld.idx.msk [tilespmem:v0+s8+$0xFFFFFFD0 ss:$0x1], $0xffff  }
0x13d: {  	v3 =	vld.idx.msk [tilespmem:v0+s22+$0x40 ss:$0x1], $0xffff  }
0x13e: {  	v4 =	vld.idx.msk [tilespmem:v0+s22+$0xFFFFFFC0 ss:$0x1], $0xffff  }
0x13f: {  	[tilespmem:s8+$0x13990] =	vst.add.f32.msk $0xffff, v1  }
0x140: {  	v1 =	vld.idx.msk [tilespmem:v0+s8+$0x60 ss:$0x1], $0xffff  }
0x141: {  	[tilespmem:s8+$0x13910] =	vst.add.f32.msk $0xffff, v2  }
0x142: {  	v2 =	vld.idx.msk [tilespmem:v0+s8+$0xFFFFFFE0 ss:$0x1], $0xffff  }
0x143: {  	[tilespmem:s22+$0x13980] =	vst.add.f32.msk $0xffff, v3  }
0x144: {  	[tilespmem:s22+$0x13900] =	vst.add.f32.msk $0xffff, v4  }
0x145: {  	[tilespmem:s8+$0x139A0] =	vst.add.f32.msk $0xffff, v1  }
0x146: {  	v1 =	vld.idx.msk [tilespmem:v0+s8+$0x70 ss:$0x1], $0xffff  }
0x147: {  	[tilespmem:s8+$0x13920] =	vst.add.f32.msk $0xffff, v2  }
0x148: {  	v2 =	vld.idx.msk [tilespmem:v0+s8+$0xFFFFFFF0 ss:$0x1], $0xffff  }
0x149: {  	v3 =	vld.idx.msk [tilespmem:v0+s22+$0x50 ss:$0x1], $0xffff  }
0x14a: {  	v4 =	vld.idx.msk [tilespmem:v0+s22+$0xFFFFFFD0 ss:$0x1], $0xffff  }
0x14b: {  	[tilespmem:s8+$0x139B0] =	vst.add.f32.msk $0xffff, v1  }
0x14c: {  	v1 =	vld.idx.msk [tilespmem:v0+s8+$0x80 ss:$0x1], $0xffff  }
0x14d: {  	[tilespmem:s8+$0x13930] =	vst.add.f32.msk $0xffff, v2  }
0x14e: {  	v2 =	vld.idx.msk [tilespmem:v0+s8+$0x0 ss:$0x1], $0xffff  }
0x14f: {  	[tilespmem:s22+$0x13990] =	vst.add.f32.msk $0xffff, v3  }
0x150: {  	[tilespmem:s22+$0x13910] =	vst.add.f32.msk $0xffff, v4  }
0x151: {  	[tilespmem:s8+$0x139C0] =	vst.add.f32.msk $0xffff, v1  }
0x152: {  	v1 =	vld.idx.msk [tilespmem:v0+s8+$0x90 ss:$0x1], $0xffff  }
0x153: {  	[tilespmem:s8+$0x13940] =	vst.add.f32.msk $0xffff, v2  }
0x154: {  	v2 =	vld.idx.msk [tilespmem:v0+s22+$0x60 ss:$0x1], $0xffff  }
0x155: {  	v4 =	vld.idx.msk [tilespmem:v0+s22+$0xFFFFFFE0 ss:$0x1], $0xffff  }
0x156: {  	v3 =	vld.idx.msk [tilespmem:v0+s8+$0x10 ss:$0x1], $0xffff  }
0x157: {  	[tilespmem:s8+$0x139D0] =	vst.add.f32.msk $0xffff, v1  }
0x158: {  	v1 =	vld.idx.msk [tilespmem:v0+s8+$0xA0 ss:$0x1], $0xffff  }
0x159: {  	[tilespmem:s22+$0x139A0] =	vst.add.f32.msk $0xffff, v2  }
0x15a: {  	v2 =	vld.idx.msk [tilespmem:v0+s22+$0x70 ss:$0x1], $0xffff  }
0x15b: {  	[tilespmem:s8+$0x13950] =	vst.add.f32.msk $0xffff, v3  }
0x15c: {  	v3 =	vld.idx.msk [tilespmem:v0+s8+$0x20 ss:$0x1], $0xffff  }
0x15d: {  	[tilespmem:s8+$0x139E0] =	vst.add.f32.msk $0xffff, v1  }
0x15e: {  	v1 =	vld.idx.msk [tilespmem:v0+s8+$0xB0 ss:$0x1], $0xffff  }
0x15f: {  	[tilespmem:s22+$0x13920] =	vst.add.f32.msk $0xffff, v4  }
0x160: {  	[tilespmem:s22+$0x139B0] =	vst.add.f32.msk $0xffff, v2  }
0x161: {  	v2 =	vld.idx.msk [tilespmem:v0+s22+$0x80 ss:$0x1], $0xffff  }
0x162: {  	[tilespmem:s8+$0x13960] =	vst.add.f32.msk $0xffff, v3  }
0x163: {  	[tilespmem:s8+$0x139F0] =	vst.add.f32.msk $0xffff, v1  }
0x164: {  	s14 =	sadd.s32 s4, s14;
	s15 =	simm.s32 $0x2;
	s20 =	simm.s32 $0x800;
	v1 =	vld.idx.msk [tilespmem:v0+s22+$0xFFFFFFF0 ss:$0x1], $0xffff  }
.LBB2_12:
0x165: {  	s19 =	sshra.s32 s20, $0x2;
	s15 =	sadd.s32 $0x2, s15;
	v3 =	vld.idx.msk [tilespmem:v0+s8+$0x30 ss:$0x1], $0xffff  }
0x166: {  	v4 =	vld.idx.msk [tilespmem:v0+s19+$0x40 ss:$0x1], $0xffff;
	p0 =	slt.u32 s15, $0x7E  }
0x167: {  	v5 =	vld.idx.msk [tilespmem:v0+s19+$0xFFFFFFC0 ss:$0x1], $0xffff  }
0x168: {  	[tilespmem:s22+$0x139C0] =	vst.add.f32.msk $0xffff, v2  }
0x169: {  	v2 =	vld.idx.msk [tilespmem:v0+s22+$0x90 ss:$0x1], $0xffff  }
0x16a: {  	[tilespmem:s22+$0x13930] =	vst.add.f32.msk $0xffff, v1  }
0x16b: {  	v1 =	vld.idx.msk [tilespmem:v0+s22+$0x0 ss:$0x1], $0xffff  }
0x16c: {  	[tilespmem:s19+$0x13980] =	vst.add.f32.msk $0xffff, v4  }
0x16d: {  	v4 =	vld.idx.msk [tilespmem:v0+s19+$0x50 ss:$0x1], $0xffff  }
0x16e: {  	[tilespmem:s19+$0x13900] =	vst.add.f32.msk $0xffff, v5  }
0x16f: {  	[tilespmem:s22+$0x139D0] =	vst.add.f32.msk $0xffff, v2  }
0x170: {  	v2 =	vld.idx.msk [tilespmem:v0+s22+$0xA0 ss:$0x1], $0xffff  }
0x171: {  	v5 =	vld.idx.msk [tilespmem:v0+s19+$0xFFFFFFD0 ss:$0x1], $0xffff  }
0x172: {  	[tilespmem:s22+$0x13940] =	vst.add.f32.msk $0xffff, v1  }
0x173: {  	[tilespmem:s19+$0x13990] =	vst.add.f32.msk $0xffff, v4  }
0x174: {  	v1 =	vld.idx.msk [tilespmem:v0+s19+$0x60 ss:$0x1], $0xffff  }
0x175: {  	v4 =	vld.idx.msk [tilespmem:v0+s22+$0x10 ss:$0x1], $0xffff  }
0x176: {  	[tilespmem:s22+$0x139E0] =	vst.add.f32.msk $0xffff, v2  }
0x177: {  	v2 =	vld.idx.msk [tilespmem:v0+s22+$0xB0 ss:$0x1], $0xffff  }
0x178: {  	[tilespmem:s19+$0x13910] =	vst.add.f32.msk $0xffff, v5  }
0x179: {  	v5 =	vld.idx.msk [tilespmem:v0+s19+$0xFFFFFFE0 ss:$0x1], $0xffff  }
0x17a: {  	[tilespmem:s19+$0x139A0] =	vst.add.f32.msk $0xffff, v1  }
0x17b: {  	v6 =	vld.idx.msk [tilespmem:v0+s19+$0x70 ss:$0x1], $0xffff  }
0x17c: {  	[tilespmem:s22+$0x13950] =	vst.add.f32.msk $0xffff, v4  }
0x17d: {  	[tilespmem:s22+$0x139F0] =	vst.add.f32.msk $0xffff, v2  }
0x17e: {  	v4 =	vld.idx.msk [tilespmem:v0+s22+$0x20 ss:$0x1], $0xffff  }
0x17f: {  	[tilespmem:s19+$0x13920] =	vst.add.f32.msk $0xffff, v5  }
.Ltmp9:
0x180: {  	v1 =	vld.idx.msk [tilespmem:v0+s19+$0xFFFFFFF0 ss:$0x1], $0xffff;
	(pc) =	sbr.rel @p0 .LBB2_12-.Ltmp9, $4  }
0x181: {  	[tilespmem:s19+$0x139B0] =	vst.add.f32.msk $0xffff, v6  }
0x182: {  	v2 =	vld.idx.msk [tilespmem:v0+s19+$0x80 ss:$0x1], $0xffff  }
0x183: {  	[tilespmem:s8+$0x13970] =	vst.add.f32.msk $0xffff, v3;
	s8 =	smov.u32 s22;
	s22 =	smov.u32 s19  }
0x184: {  	s20 =	sadd.s32 $0x400, s20;
	[tilespmem:s8+$0x13960] =	vst.add.f32.msk $0xffff, v4  }
0x185: {  	_ =	sdelay $0x2  }
0x186: {  	[tilespmem:s22+$0x13930] =	vst.add.f32.msk $0xffff, v1  }
0x187: {  	v1 =	vld.idx.msk [tilespmem:v0+s22+$0x0 ss:$0x1], $0xffff;
	_ =	sdelay $0x2  }
0x188: {  	[tilespmem:s22+$0x139C0] =	vst.add.f32.msk $0xffff, v2  }
0x189: {  	v2 =	vld.idx.msk [tilespmem:v0+s22+$0x90 ss:$0x1], $0xffff  }
0x18a: {  	[tilespmem:s22+$0x13940] =	vst.add.f32.msk $0xffff, v1  }
0x18b: {  	v1 =	vld.idx.msk [tilespmem:v0+s22+$0x10 ss:$0x1], $0xffff;
	_ =	sdelay $0x2  }
0x18c: {  	[tilespmem:s22+$0x139D0] =	vst.add.f32.msk $0xffff, v2  }
0x18d: {  	v2 =	vld.idx.msk [tilespmem:v0+s22+$0xA0 ss:$0x1], $0xffff  }
0x18e: {  	[tilespmem:s22+$0x13950] =	vst.add.f32.msk $0xffff, v1  }
0x18f: {  	v1 =	vld.idx.msk [tilespmem:v0+s22+$0x20 ss:$0x1], $0xffff;
	_ =	sdelay $0x1  }
0x190: {  	v3 =	vld.idx.msk [tilespmem:v0+s8+$0x30 ss:$0x1], $0xffff  }
0x191: {  	[tilespmem:s22+$0x139E0] =	vst.add.f32.msk $0xffff, v2  }
0x192: {  	v2 =	vld.idx.msk [tilespmem:v0+s22+$0xB0 ss:$0x1], $0xffff  }
0x193: {  	[tilespmem:s22+$0x13960] =	vst.add.f32.msk $0xffff, v1  }
0x194: {  	v63 =	vld.idx.msk [tilespmem:v0+s22+$0x30 ss:$0x1], $0xffff;
	_ =	sdelay $0x2  }
0x195: {  	s14 =	sshll.u32 s14, $0xB;
	[tilespmem:s8+$0x13970] =	vst.add.f32.msk $0xffff, v3  }
0x196: {  	s24 =	sand.u32 $0x1FFFF000, s14;
	[tilespmem:s22+$0x139F0] =	vst.add.f32.msk $0xffff, v2  }
0x197: {  	s8 =	sadd.s32 s5, s24;
	[tilespmem:s22+$0x13970] =	vst.add.f32.msk $0xffff, v63  }
0x198: {  	[hbm4b:s8+s6] =	stream.linear.scatter [tilespmem:s28], [sflag:$0x7], $0x4000, $0x38;
	[tilespmem:$0x1B900] =	vst v63  }
.LBB2_14:
.Ltmp10:
0x199: {  	(pc) =	sbr.rel @!p1 .LBB2_18-.Ltmp10, $1  }
0x19a: {  	_ =	sdelay $0x3  }
0x19b: {  	s8 =	sadd.s32 s7, s9  }
0x19c: {  	s14 =	sshll.u32 s8, $0x7  }
0x19d: {  	_ =	swait.ge [sflag:s13], $0x2000;
	s14 =	smulhi.u32 $0x51EB851F, s14  }
0x19e: {  	[sflag:s13] =	ssyncset.done $0x0  }
0x19f: {  	[sflag:s13] =	ssyncadd.s32 $0xFFFFE000;
	s14 =	sshrl.u32 s14, $0x6  }
0x1a0: {  	_ =	swait.ge [sflag:s13], $0x2000;
	s14 =	smul.u32 $0x19000, s14  }
0x1a1: {  	p0 =	seq.s32 s3, $0xC;
	s8 =	sshll.u32 s8, $0x10;
	[sflag:s13] =	ssyncset.done $0x0  }
0x1a2: {  	s19 =	simm.s32 @!p0 $0x40;
	[sflag:s13] =	ssyncadd.s32 $0xFFFFE000;
	s8 =	ssub.s32 s8, s14  }
0x1a3: {  	_ =	swait.ge [sflag:s18], $0x4000;
	s14 =	sshll.u32 @!p0 s3, $0x9;
	s8 =	sshra.s32 s8, $0x2  }
0x1a4: {  	[sflag:s18] =	ssyncset.done $0x0;
	s14 =	sand.u32 @!p0 $0x3FFFFE00, s14;
	s8 =	sor.u32 $0x40, s8  }
0x1a5: {  	s20 =	simm.s32 @!p0 $0xF900;
	[sflag:s18] =	ssyncadd.s32 $0xFFFFC000;
	s15 =	sadd.s32 @!p0 $0xA280, s14;
	v0 =	vmov s8  }
0x1a6: {  	[tilespmem:s20], [sflag:$0x2] =	stream.indirect.gather @!p0 [hbm4b:s2+s19], $0x80, s15, s19, $0xb8;
	[tilespmem:$0x1B900] =	vst v63  }
0x1a7: {  	s8 =	sadd.s32 @!p0 $0xA2C0, s14;
	s14 =	simm.s32 @!p0 $0x11900  }
0x1a8: {  	[tilespmem:s14], [sflag:$0x2] =	stream.indirect.gather @!p0 [hbm4b:s2+s19], $0x80, s8, s19, $0xb8;
	[tilespmem:$0x1B900] =	vst v63  }
0x1a9: {  	s8 =	simm.s32 $0x0  }
0x1aa: {  	v1 =	vld.idx.msk [tilespmem:v0+s8+$0x40 ss:$0x1], $0xffff;
	_ =	sdelay $0x1  }
0x1ab: {  	v2 =	vld.idx.msk [tilespmem:v0+s8+$0xFFFFFFC0 ss:$0x1], $0xffff;
	_ =	sdelay $0x2  }
0x1ac: {  	[tilespmem:s8+$0x17980] =	vst.add.f32.msk $0xffff, v1  }
0x1ad: {  	v1 =	vld.idx.msk [tilespmem:v0+s8+$0x50 ss:$0x1], $0xffff  }
0x1ae: {  	[tilespmem:s8+$0x17900] =	vst.add.f32.msk $0xffff, v2  }
0x1af: {  	s14 =	simm.s32 $0x100;
	v2 =	vld.idx.msk [tilespmem:v0+s8+$0xFFFFFFD0 ss:$0x1], $0xffff  }
0x1b0: {  	v3 =	vld.idx.msk [tilespmem:v0+s14+$0x40 ss:$0x1], $0xffff  }
0x1b1: {  	v4 =	vld.idx.msk [tilespmem:v0+s14+$0xFFFFFFC0 ss:$0x1], $0xffff  }
0x1b2: {  	[tilespmem:s8+$0x17990] =	vst.add.f32.msk $0xffff, v1  }
0x1b3: {  	v1 =	vld.idx.msk [tilespmem:v0+s8+$0x60 ss:$0x1], $0xffff  }
0x1b4: {  	[tilespmem:s8+$0x17910] =	vst.add.f32.msk $0xffff, v2  }
0x1b5: {  	v2 =	vld.idx.msk [tilespmem:v0+s8+$0xFFFFFFE0 ss:$0x1], $0xffff  }
0x1b6: {  	[tilespmem:s14+$0x17980] =	vst.add.f32.msk $0xffff, v3  }
0x1b7: {  	[tilespmem:s14+$0x17900] =	vst.add.f32.msk $0xffff, v4  }
0x1b8: {  	[tilespmem:s8+$0x179A0] =	vst.add.f32.msk $0xffff, v1  }
0x1b9: {  	v1 =	vld.idx.msk [tilespmem:v0+s8+$0x70 ss:$0x1], $0xffff  }
0x1ba: {  	[tilespmem:s8+$0x17920] =	vst.add.f32.msk $0xffff, v2  }
0x1bb: {  	v2 =	vld.idx.msk [tilespmem:v0+s8+$0xFFFFFFF0 ss:$0x1], $0xffff  }
0x1bc: {  	v3 =	vld.idx.msk [tilespmem:v0+s14+$0x50 ss:$0x1], $0xffff  }
0x1bd: {  	v4 =	vld.idx.msk [tilespmem:v0+s14+$0xFFFFFFD0 ss:$0x1], $0xffff  }
0x1be: {  	[tilespmem:s8+$0x179B0] =	vst.add.f32.msk $0xffff, v1  }
0x1bf: {  	v1 =	vld.idx.msk [tilespmem:v0+s8+$0x80 ss:$0x1], $0xffff  }
0x1c0: {  	[tilespmem:s8+$0x17930] =	vst.add.f32.msk $0xffff, v2  }
0x1c1: {  	v2 =	vld.idx.msk [tilespmem:v0+s8+$0x0 ss:$0x1], $0xffff  }
0x1c2: {  	[tilespmem:s14+$0x17990] =	vst.add.f32.msk $0xffff, v3  }
0x1c3: {  	[tilespmem:s14+$0x17910] =	vst.add.f32.msk $0xffff, v4  }
0x1c4: {  	[tilespmem:s8+$0x179C0] =	vst.add.f32.msk $0xffff, v1  }
0x1c5: {  	v1 =	vld.idx.msk [tilespmem:v0+s8+$0x90 ss:$0x1], $0xffff  }
0x1c6: {  	[tilespmem:s8+$0x17940] =	vst.add.f32.msk $0xffff, v2  }
0x1c7: {  	v2 =	vld.idx.msk [tilespmem:v0+s14+$0x60 ss:$0x1], $0xffff  }
0x1c8: {  	v4 =	vld.idx.msk [tilespmem:v0+s14+$0xFFFFFFE0 ss:$0x1], $0xffff  }
0x1c9: {  	v3 =	vld.idx.msk [tilespmem:v0+s8+$0x10 ss:$0x1], $0xffff  }
0x1ca: {  	[tilespmem:s8+$0x179D0] =	vst.add.f32.msk $0xffff, v1  }
0x1cb: {  	v1 =	vld.idx.msk [tilespmem:v0+s8+$0xA0 ss:$0x1], $0xffff  }
0x1cc: {  	[tilespmem:s14+$0x179A0] =	vst.add.f32.msk $0xffff, v2  }
0x1cd: {  	v2 =	vld.idx.msk [tilespmem:v0+s14+$0x70 ss:$0x1], $0xffff  }
0x1ce: {  	[tilespmem:s8+$0x17950] =	vst.add.f32.msk $0xffff, v3  }
0x1cf: {  	v3 =	vld.idx.msk [tilespmem:v0+s8+$0x20 ss:$0x1], $0xffff  }
0x1d0: {  	[tilespmem:s8+$0x179E0] =	vst.add.f32.msk $0xffff, v1  }
0x1d1: {  	v1 =	vld.idx.msk [tilespmem:v0+s8+$0xB0 ss:$0x1], $0xffff  }
0x1d2: {  	[tilespmem:s14+$0x17920] =	vst.add.f32.msk $0xffff, v4  }
0x1d3: {  	[tilespmem:s14+$0x179B0] =	vst.add.f32.msk $0xffff, v2  }
0x1d4: {  	v2 =	vld.idx.msk [tilespmem:v0+s14+$0x80 ss:$0x1], $0xffff  }
0x1d5: {  	[tilespmem:s8+$0x17960] =	vst.add.f32.msk $0xffff, v3  }
0x1d6: {  	[tilespmem:s8+$0x179F0] =	vst.add.f32.msk $0xffff, v1  }
0x1d7: {  	s7 =	sadd.s32 s4, s7;
	s15 =	simm.s32 $0x2;
	s20 =	simm.s32 $0x800;
	v1 =	vld.idx.msk [tilespmem:v0+s14+$0xFFFFFFF0 ss:$0x1], $0xffff  }
.LBB2_16:
0x1d8: {  	s19 =	sshra.s32 s20, $0x2;
	s15 =	sadd.s32 $0x2, s15;
	v3 =	vld.idx.msk [tilespmem:v0+s8+$0x30 ss:$0x1], $0xffff  }
0x1d9: {  	v4 =	vld.idx.msk [tilespmem:v0+s19+$0x40 ss:$0x1], $0xffff;
	p0 =	slt.u32 s15, $0x7E  }
0x1da: {  	v5 =	vld.idx.msk [tilespmem:v0+s19+$0xFFFFFFC0 ss:$0x1], $0xffff  }
0x1db: {  	[tilespmem:s14+$0x179C0] =	vst.add.f32.msk $0xffff, v2  }
0x1dc: {  	v2 =	vld.idx.msk [tilespmem:v0+s14+$0x90 ss:$0x1], $0xffff  }
0x1dd: {  	[tilespmem:s14+$0x17930] =	vst.add.f32.msk $0xffff, v1  }
0x1de: {  	v1 =	vld.idx.msk [tilespmem:v0+s14+$0x0 ss:$0x1], $0xffff  }
0x1df: {  	[tilespmem:s19+$0x17980] =	vst.add.f32.msk $0xffff, v4  }
0x1e0: {  	v4 =	vld.idx.msk [tilespmem:v0+s19+$0x50 ss:$0x1], $0xffff  }
0x1e1: {  	[tilespmem:s19+$0x17900] =	vst.add.f32.msk $0xffff, v5  }
0x1e2: {  	[tilespmem:s14+$0x179D0] =	vst.add.f32.msk $0xffff, v2  }
0x1e3: {  	v2 =	vld.idx.msk [tilespmem:v0+s14+$0xA0 ss:$0x1], $0xffff  }
0x1e4: {  	v5 =	vld.idx.msk [tilespmem:v0+s19+$0xFFFFFFD0 ss:$0x1], $0xffff  }
0x1e5: {  	[tilespmem:s14+$0x17940] =	vst.add.f32.msk $0xffff, v1  }
0x1e6: {  	[tilespmem:s19+$0x17990] =	vst.add.f32.msk $0xffff, v4  }
0x1e7: {  	v1 =	vld.idx.msk [tilespmem:v0+s19+$0x60 ss:$0x1], $0xffff  }
0x1e8: {  	v4 =	vld.idx.msk [tilespmem:v0+s14+$0x10 ss:$0x1], $0xffff  }
0x1e9: {  	[tilespmem:s14+$0x179E0] =	vst.add.f32.msk $0xffff, v2  }
0x1ea: {  	v2 =	vld.idx.msk [tilespmem:v0+s14+$0xB0 ss:$0x1], $0xffff  }
0x1eb: {  	[tilespmem:s19+$0x17910] =	vst.add.f32.msk $0xffff, v5  }
0x1ec: {  	v5 =	vld.idx.msk [tilespmem:v0+s19+$0xFFFFFFE0 ss:$0x1], $0xffff  }
0x1ed: {  	[tilespmem:s19+$0x179A0] =	vst.add.f32.msk $0xffff, v1  }
0x1ee: {  	v6 =	vld.idx.msk [tilespmem:v0+s19+$0x70 ss:$0x1], $0xffff  }
0x1ef: {  	[tilespmem:s14+$0x17950] =	vst.add.f32.msk $0xffff, v4  }
0x1f0: {  	[tilespmem:s14+$0x179F0] =	vst.add.f32.msk $0xffff, v2  }
0x1f1: {  	v4 =	vld.idx.msk [tilespmem:v0+s14+$0x20 ss:$0x1], $0xffff  }
0x1f2: {  	[tilespmem:s19+$0x17920] =	vst.add.f32.msk $0xffff, v5  }
.Ltmp11:
0x1f3: {  	v1 =	vld.idx.msk [tilespmem:v0+s19+$0xFFFFFFF0 ss:$0x1], $0xffff;
	(pc) =	sbr.rel @p0 .LBB2_16-.Ltmp11, $4  }
0x1f4: {  	[tilespmem:s19+$0x179B0] =	vst.add.f32.msk $0xffff, v6  }
0x1f5: {  	v2 =	vld.idx.msk [tilespmem:v0+s19+$0x80 ss:$0x1], $0xffff  }
0x1f6: {  	[tilespmem:s8+$0x17970] =	vst.add.f32.msk $0xffff, v3;
	s8 =	smov.u32 s14;
	s14 =	smov.u32 s19  }
0x1f7: {  	s20 =	sadd.s32 $0x400, s20;
	[tilespmem:s8+$0x17960] =	vst.add.f32.msk $0xffff, v4  }
0x1f8: {  	_ =	sdelay $0x2  }
0x1f9: {  	[tilespmem:s14+$0x17930] =	vst.add.f32.msk $0xffff, v1  }
0x1fa: {  	v1 =	vld.idx.msk [tilespmem:v0+s14+$0x0 ss:$0x1], $0xffff;
	_ =	sdelay $0x2  }
0x1fb: {  	[tilespmem:s14+$0x179C0] =	vst.add.f32.msk $0xffff, v2  }
0x1fc: {  	v2 =	vld.idx.msk [tilespmem:v0+s14+$0x90 ss:$0x1], $0xffff  }
0x1fd: {  	[tilespmem:s14+$0x17940] =	vst.add.f32.msk $0xffff, v1  }
0x1fe: {  	v1 =	vld.idx.msk [tilespmem:v0+s14+$0x10 ss:$0x1], $0xffff;
	_ =	sdelay $0x2  }
0x1ff: {  	[tilespmem:s14+$0x179D0] =	vst.add.f32.msk $0xffff, v2  }
0x200: {  	v2 =	vld.idx.msk [tilespmem:v0+s14+$0xA0 ss:$0x1], $0xffff  }
0x201: {  	[tilespmem:s14+$0x17950] =	vst.add.f32.msk $0xffff, v1  }
0x202: {  	v1 =	vld.idx.msk [tilespmem:v0+s14+$0x20 ss:$0x1], $0xffff;
	_ =	sdelay $0x1  }
0x203: {  	v3 =	vld.idx.msk [tilespmem:v0+s8+$0x30 ss:$0x1], $0xffff  }
0x204: {  	[tilespmem:s14+$0x179E0] =	vst.add.f32.msk $0xffff, v2  }
0x205: {  	v2 =	vld.idx.msk [tilespmem:v0+s14+$0xB0 ss:$0x1], $0xffff  }
0x206: {  	[tilespmem:s14+$0x17960] =	vst.add.f32.msk $0xffff, v1  }
0x207: {  	v63 =	vld.idx.msk [tilespmem:v0+s14+$0x30 ss:$0x1], $0xffff;
	_ =	sdelay $0x1  }
.Ltmp12:
0x208: {  	_ = 	snop;
	(pc) =	sbr.rel .LBB2_18-.Ltmp12, $4  }
0x209: {  	s7 =	sshll.u32 s7, $0xB;
	[tilespmem:s8+$0x17970] =	vst.add.f32.msk $0xffff, v3  }
0x20a: {  	s7 =	sand.u32 $0x1FFFF800, s7;
	[tilespmem:s14+$0x179F0] =	vst.add.f32.msk $0xffff, v2  }
0x20b: {  	s7 =	sadd.s32 s5, s7;
	[tilespmem:s14+$0x17970] =	vst.add.f32.msk $0xffff, v63  }
0x20c: {  	[hbm4b:s7+s6] =	stream.linear.scatter [tilespmem:s31], [sflag:$0x8], $0x4000, $0x38;
	[tilespmem:$0x1B900] =	vst v63  }
.LBB2_20:
0x20d: {  	_ =	sfence.sel $0x180000  }
0x20e: {  	[bflag:$0x0] =	sbarrier.arrive $0xFFFF  }
0x20f: {  	_ =	strace $0x90000047  }
0x210: {  	s0 =	stileid.u32;
	[bflag:$0x2] =	sbarrier.arrive $0xFFFF  }
0x211: {  	p0 =	sne.s32 s0, $0x0;
	s0 =	rddreg [dreg:$0x4]  }
0x212: {  	s0 =	sadd.s32 @!p0 $0x100000, s0  }
0x213: {  	[sflag:s0] =	ssyncadd.tile.s32 @!p0 $0x1;
	_ =	shalt  }
.Lfunc_end2:
_tile_overlayer_lowered:
.L_overlay_start_2:
0x214: {  	(tag) =	ssettag $0x2  }
0x215: {  	s0 =	rddreg [dreg:$0x0];
	s2 =	stileid.u32  }
0x216: {  	s1 =	rddreg [dreg:$0x1];
	p0 =	sne.s32 s2, $0x0  }
0x217: {  	s3 =	rddreg [dreg:$0x2];
	[bflag:$0x3] =	sbarrier.arrive $0xFFFF;
	s2 =	simm.s32 @!p0 $0x1C0A  }
0x218: {  	[timem:s3], [sflag:s2] =	dma.local @!p0 [hbm:s0], s1  }
0x219: {  	s0 =	simm.s32 @!p0 $0xA  }
0x21a: {  	_ =	swait.ge @!p0 [sflag:s0], s1  }
0x21b: {  	s1 =	ssub.s32 @!p0 $0x0, s1;
	[sflag:s0] =	ssyncset.done @!p0 $0x0  }
0x21c: {  	[sflag:s0] =	ssyncadd.s32 @!p0 s1  }
0x21d: {  	[bflag:$0x3] =	sbarrier.arrive $0xFFFF  }
0x21e: {  	_ =	shalt  }

</sc_bundles>
